<compile_context>
chip_gen: v7x
topology: tpu7x:2x2x1
jax: 0.10.2.dev20260603
libtpu: 0.0.44.dev20260713+nightly
codegen_flags: <defaults>
</compile_context>

<pallas_src>
import jax
import jax.numpy as jnp
from jax import lax
from jax.experimental import pallas as pl
from jax.experimental.pallas import tpu as pltpu
from jax.experimental.pallas import tpu_sc as plsc

_VOCAB = 1000000
_D = 64
_B = 4096
_L = 200

_NC = 2
_NS = 16
_NW = _NC * _NS
_SEQ_W = _B // _NW
_SPC = 2
_NCH = _SEQ_W // _SPC
_LANES = 16
_SPLITS = ((0, 128), (128, 72))


def _sc_body(x, tbl, posf, out, idx_all, rows_v, pos_v,
             gsem0, gsem1, ssem0, ssem1):
  cid = lax.axis_index("c")
  sid = lax.axis_index("s")
  wid = sid * _NC + cid
  seq_base = wid * _SEQ_W

  gsems = (gsem0, gsem1)
  ssems = (ssem0, ssem1)

  pltpu.sync_copy(posf, pos_v)
  pltpu.sync_copy(x.at[pl.ds(seq_base, _SEQ_W)], idx_all)

  def issue_gather(c, b):
    for j in range(_SPC):
      for (o, n) in _SPLITS:
        pltpu.async_copy(
            tbl.at[idx_all.at[c * _SPC + j, pl.ds(o, n)]],
            rows_v.at[b, j, pl.ds(o, n)], gsems[b])

  def wait_gather(b):
    pltpu.make_async_copy(
        out.at[pl.ds(0, _SPC)], rows_v.at[b], gsems[b]).wait()

  def issue_store(c, b):
    pltpu.async_copy(rows_v.at[b],
                     out.at[pl.ds(seq_base + c * _SPC, _SPC)], ssems[b])

  def wait_store(b):
    pltpu.make_async_copy(rows_v.at[b], out.at[pl.ds(0, _SPC)],
                          ssems[b]).wait()

  def add_pos(b):
    @pl.loop(0, _L, unroll=2)
    def _row(r):
      for k in range(_D // _LANES):
        v = pos_v[r, pl.ds(k * _LANES, _LANES)]
        for j in range(_SPC):
          plsc.addupdate(rows_v.at[b, j, r, pl.ds(k * _LANES, _LANES)], v)

  issue_gather(0, 0)

  @pl.loop(0, _NCH // 2)
  def _pair(c2):
    c0 = c2 * 2
    for half in range(2):
      cc = c0 + half
      b = half
      nb = 1 - half

      @pl.when(cc > 0)
      def _():
        wait_store(nb)

      @pl.when(cc + 1 < _NCH)
      def _():
        issue_gather(cc + 1, nb)

      wait_gather(b)
      add_pos(b)
      issue_store(cc, b)

  wait_store(1)


@jax.jit
def _run(x, token_table, pos_table):
  mesh = plsc.VectorSubcoreMesh(
      core_axis_name="c", subcore_axis_name="s",
      num_cores=_NC, num_subcores=_NS)
  kern = pl.kernel(
      _sc_body,
      out_type=jax.ShapeDtypeStruct((_B, _L, _D), jnp.float32),
      mesh=mesh,
      scratch_types=[
          pltpu.VMEM((_SEQ_W, _L), jnp.int32),
          pltpu.VMEM((2, _SPC, _L, _D), jnp.float32),
          pltpu.VMEM((_L, _D), jnp.float32),
          pltpu.SemaphoreType.DMA,
          pltpu.SemaphoreType.DMA,
          pltpu.SemaphoreType.DMA,
          pltpu.SemaphoreType.DMA,
      ],
      compiler_params=pltpu.CompilerParams(use_tc_tiling_on_sc=False),
  )
  return kern(x, token_table, pos_table)


def kernel(x, token_table, pos_table):
  return _run(x, token_table, pos_table[:_L])

# --- scband reference (transcript-rebuilt; emitter-appended) ---
"""Pipeline reference for scband-token-and-position-embedding-1683627180709 (READ-ONLY COPY).

The authoritative reference and input builder live on the scoring server;
editing this copy changes nothing except your own understanding.
"""

import jax, jax.numpy as jnp
import numpy as np

VOCAB = 1000000
MAX_LEN = 200
EMBED_DIM = 64
BATCH = 4096
SEQ = 200


def setup_inputs(seed: int = 0) -> dict:
    key = jax.random.key(seed)
    k1, k2, k3 = jax.random.split(key, 3)
    x = jax.random.randint(k1, (BATCH, SEQ), 0, VOCAB, dtype=jnp.int32)
    token_table = jax.random.normal(k2, (VOCAB, EMBED_DIM), dtype=jnp.float32) * 0.02
    pos_table = jax.random.normal(k3, (MAX_LEN, EMBED_DIM), dtype=jnp.float32) * 0.02
    return {"x": x, "token_table": token_table, "pos_table": pos_table}


def reference(x, token_table, pos_table):
    seq_len = x.shape[-1]
    positions = jnp.arange(seq_len)
    pos_emb = jnp.take(pos_table, positions, axis=0)  # [L, D]
    tok_emb = jnp.take(token_table, x, axis=0)        # [B, L, D]
    return tok_emb + pos_emb[None, :, :]

if __name__ == "__main__":
    import jax
    _d = setup_inputs()
    print(jax.jit(kernel)(*tuple(_d.values())))

</pallas_src>

<mosaic_0001>
#map = affine_map<(d0, d1) -> (0, 0)>
#map1 = affine_map<(d0, d1) -> (0, 0, 0)>
module attributes {stable_mosaic.version = 14 : i64} {
  func.func @_sc_body(%arg0: i32, %arg1: i32, %arg2: memref<4096x200xi32, #tpu.memory_space<hbm>>, %arg3: memref<1000000x64xf32, #tpu.memory_space<hbm>>, %arg4: memref<200x64xf32, #tpu.memory_space<hbm>>, %arg5: memref<4096x200x64xf32, #tpu.memory_space<hbm>>, %arg6: memref<128x200xi32, #tpu.memory_space<vmem>>, %arg7: memref<2x2x200x64xf32, #tpu.memory_space<vmem>>, %arg8: memref<200x64xf32, #tpu.memory_space<vmem>>, %arg9: memref<!tpu.dma_semaphore, #tpu.memory_space<semaphore_mem>>, %arg10: memref<!tpu.dma_semaphore, #tpu.memory_space<semaphore_mem>>, %arg11: memref<!tpu.dma_semaphore, #tpu.memory_space<semaphore_mem>>, %arg12: memref<!tpu.dma_semaphore, #tpu.memory_space<semaphore_mem>>) attributes {dimension_semantics = [#tpu.dimension_semantics<core_parallel>, #tpu.dimension_semantics<subcore_parallel>], iteration_bounds = array<i64: 2, 16>, scalar_prefetch = 0 : i64, scratch_operands = 7 : i64, tpu.core_type = #tpu.core_type<sc_vector_subcore>, window_params = [{transform_indices = #map}, {transform_indices = #map}, {transform_indices = #map}, {transform_indices = #map1}]} {
    %mul3A = arith.constant 2 : i32
    %mul3A_0 = arith.muli %arg1, %mul3A : i32
    %add3A = arith.addi %mul3A_0, %arg0 : i32
    %mul3A_1 = arith.constant 128 : i32
    %mul3A_2 = arith.muli %add3A, %mul3A_1 : i32
    "tpu.region"() ({
      %run_scoped3A = tpu.sem_alloc : memref<!tpu.dma_semaphore, #tpu.memory_space<semaphore_mem>>
      tpu.enqueue_dma source(%arg4 : memref<200x64xf32, #tpu.memory_space<hbm>>) target(%arg8 : memref<200x64xf32, #tpu.memory_space<vmem>>) target_semaphore(%run_scoped3A : memref<!tpu.dma_semaphore, #tpu.memory_space<semaphore_mem>>)
      tpu.wait_dma2 semaphore(%run_scoped3A : memref<!tpu.dma_semaphore, #tpu.memory_space<semaphore_mem>>) src(%arg4 : memref<200x64xf32, #tpu.memory_space<hbm>>) dst(%arg8 : memref<200x64xf32, #tpu.memory_space<vmem>>)
      tpu.yield
    }) : () -> ()
    "tpu.region"() ({
      %run_scoped3A = tpu.sem_alloc : memref<!tpu.dma_semaphore, #tpu.memory_space<semaphore_mem>>
      %dma_start3A_76 = arith.constant 0 : i32
      %dma_start3A_77 = tpu.memref_slice %arg2[%mul3A_2, %dma_start3A_76] : memref<4096x200xi32, #tpu.memory_space<hbm>> -> memref<128x200xi32, #tpu.memory_space<hbm>>
      %dma_start3A_78 = arith.constant 0 : i32
      %dma_start3A_79 = tpu.memref_slice %arg2[%mul3A_2, %dma_start3A_78] : memref<4096x200xi32, #tpu.memory_space<hbm>> -> memref<128x200xi32, #tpu.memory_space<hbm>>
      tpu.enqueue_dma source(%dma_start3A_79 : memref<128x200xi32, #tpu.memory_space<hbm>>) target(%arg6 : memref<128x200xi32, #tpu.memory_space<vmem>>) target_semaphore(%run_scoped3A : memref<!tpu.dma_semaphore, #tpu.memory_space<semaphore_mem>>)
      %dma_wait3A_80 = arith.constant 0 : i32
      %dma_wait3A_81 = tpu.memref_slice %arg2[%mul3A_2, %dma_wait3A_80] : memref<4096x200xi32, #tpu.memory_space<hbm>> -> memref<128x200xi32, #tpu.memory_space<hbm>>
      %dma_wait3A_82 = arith.constant 0 : i32
      %dma_wait3A_83 = tpu.memref_slice %arg2[%mul3A_2, %dma_wait3A_82] : memref<4096x200xi32, #tpu.memory_space<hbm>> -> memref<128x200xi32, #tpu.memory_space<hbm>>
      tpu.wait_dma2 semaphore(%run_scoped3A : memref<!tpu.dma_semaphore, #tpu.memory_space<semaphore_mem>>) src(%dma_wait3A_83 : memref<128x200xi32, #tpu.memory_space<hbm>>) dst(%arg6 : memref<128x200xi32, #tpu.memory_space<vmem>>)
      tpu.yield
    }) : () -> ()
    %dma_start3A = arith.constant 0 : i32
    %dma_start3A_3 = arith.constant 0 : i32
    %dma_start3A_4 = arith.constant 0 : i32
    %dma_start3A_5 = arith.constant 0 : i32
    %dma_start3A_6 = arith.constant 0 : i32
    %dma_start3A_7 = tpu.memref_slice %arg7[%dma_start3A_3, %dma_start3A_4, %dma_start3A_5, %dma_start3A_6] : memref<2x2x200x64xf32, #tpu.memory_space<vmem>> -> memref<1x1x128x64xf32, #tpu.memory_space<vmem>>
    %dma_start3A_8 = tpu.memref_squeeze %dma_start3A_7 : memref<1x1x128x64xf32, #tpu.memory_space<vmem>> -> memref<128x64xf32, #tpu.memory_space<vmem>>
    %dma_start3A_9 = arith.constant 0 : i32
    %dma_start3A_10 = tpu.memref_slice %arg6[%dma_start3A, %dma_start3A_9] : memref<128x200xi32, #tpu.memory_space<vmem>> -> memref<1x128xi32, #tpu.memory_space<vmem>>
    %dma_start3A_11 = tpu.memref_squeeze %dma_start3A_10 : memref<1x128xi32, #tpu.memory_space<vmem>> -> memref<128xi32, #tpu.memory_space<vmem>>
    %dma_start3A_12 = arith.constant 0 : i32
    %dma_start3A_13 = arith.constant 0 : i32
    %dma_start3A_14 = tpu.memref_slice %arg3[%dma_start3A_12, %dma_start3A_13] : memref<1000000x64xf32, #tpu.memory_space<hbm>> -> memref<1000000x64xf32, #tpu.memory_space<hbm>>
    tpu.enqueue_indirect_dma source(%dma_start3A_14 : memref<1000000x64xf32, #tpu.memory_space<hbm>>) target(%dma_start3A_8 : memref<128x64xf32, #tpu.memory_space<vmem>>) offsets(%dma_start3A_11 : memref<128xi32, #tpu.memory_space<vmem>>) semaphore(%arg9 : memref<!tpu.dma_semaphore, #tpu.memory_space<semaphore_mem>>)
    %dma_start3A_15 = arith.constant 0 : i32
    %dma_start3A_16 = arith.constant 0 : i32
    %dma_start3A_17 = arith.constant 0 : i32
    %dma_start3A_18 = arith.constant 128 : i32
    %dma_start3A_19 = arith.constant 0 : i32
    %dma_start3A_20 = tpu.memref_slice %arg7[%dma_start3A_16, %dma_start3A_17, %dma_start3A_18, %dma_start3A_19] : memref<2x2x200x64xf32, #tpu.memory_space<vmem>> -> memref<1x1x72x64xf32, #tpu.memory_space<vmem>>
    %dma_start3A_21 = tpu.memref_squeeze %dma_start3A_20 : memref<1x1x72x64xf32, #tpu.memory_space<vmem>> -> memref<72x64xf32, #tpu.memory_space<vmem>>
    %dma_start3A_22 = arith.constant 128 : i32
    %dma_start3A_23 = tpu.memref_slice %arg6[%dma_start3A_15, %dma_start3A_22] : memref<128x200xi32, #tpu.memory_space<vmem>> -> memref<1x72xi32, #tpu.memory_space<vmem>>
    %dma_start3A_24 = tpu.memref_squeeze %dma_start3A_23 : memref<1x72xi32, #tpu.memory_space<vmem>> -> memref<72xi32, #tpu.memory_space<vmem>>
    %dma_start3A_25 = arith.constant 0 : i32
    %dma_start3A_26 = arith.constant 0 : i32
    %dma_start3A_27 = tpu.memref_slice %arg3[%dma_start3A_25, %dma_start3A_26] : memref<1000000x64xf32, #tpu.memory_space<hbm>> -> memref<1000000x64xf32, #tpu.memory_space<hbm>>
    tpu.enqueue_indirect_dma source(%dma_start3A_27 : memref<1000000x64xf32, #tpu.memory_space<hbm>>) target(%dma_start3A_21 : memref<72x64xf32, #tpu.memory_space<vmem>>) offsets(%dma_start3A_24 : memref<72xi32, #tpu.memory_space<vmem>>) semaphore(%arg9 : memref<!tpu.dma_semaphore, #tpu.memory_space<semaphore_mem>>)
    %dma_start3A_28 = arith.constant 1 : i32
    %dma_start3A_29 = arith.constant 0 : i32
    %dma_start3A_30 = arith.constant 1 : i32
    %dma_start3A_31 = arith.constant 0 : i32
    %dma_start3A_32 = arith.constant 0 : i32
    %dma_start3A_33 = tpu.memref_slice %arg7[%dma_start3A_29, %dma_start3A_30, %dma_start3A_31, %dma_start3A_32] : memref<2x2x200x64xf32, #tpu.memory_space<vmem>> -> memref<1x1x128x64xf32, #tpu.memory_space<vmem>>
    %dma_start3A_34 = tpu.memref_squeeze %dma_start3A_33 : memref<1x1x128x64xf32, #tpu.memory_space<vmem>> -> memref<128x64xf32, #tpu.memory_space<vmem>>
    %dma_start3A_35 = arith.constant 0 : i32
    %dma_start3A_36 = tpu.memref_slice %arg6[%dma_start3A_28, %dma_start3A_35] : memref<128x200xi32, #tpu.memory_space<vmem>> -> memref<1x128xi32, #tpu.memory_space<vmem>>
    %dma_start3A_37 = tpu.memref_squeeze %dma_start3A_36 : memref<1x128xi32, #tpu.memory_space<vmem>> -> memref<128xi32, #tpu.memory_space<vmem>>
    %dma_start3A_38 = arith.constant 0 : i32
    %dma_start3A_39 = arith.constant 0 : i32
    %dma_start3A_40 = tpu.memref_slice %arg3[%dma_start3A_38, %dma_start3A_39] : memref<1000000x64xf32, #tpu.memory_space<hbm>> -> memref<1000000x64xf32, #tpu.memory_space<hbm>>
    tpu.enqueue_indirect_dma source(%dma_start3A_40 : memref<1000000x64xf32, #tpu.memory_space<hbm>>) target(%dma_start3A_34 : memref<128x64xf32, #tpu.memory_space<vmem>>) offsets(%dma_start3A_37 : memref<128xi32, #tpu.memory_space<vmem>>) semaphore(%arg9 : memref<!tpu.dma_semaphore, #tpu.memory_space<semaphore_mem>>)
    %dma_start3A_41 = arith.constant 1 : i32
    %dma_start3A_42 = arith.constant 0 : i32
    %dma_start3A_43 = arith.constant 1 : i32
    %dma_start3A_44 = arith.constant 128 : i32
    %dma_start3A_45 = arith.constant 0 : i32
    %dma_start3A_46 = tpu.memref_slice %arg7[%dma_start3A_42, %dma_start3A_43, %dma_start3A_44, %dma_start3A_45] : memref<2x2x200x64xf32, #tpu.memory_space<vmem>> -> memref<1x1x72x64xf32, #tpu.memory_space<vmem>>
    %dma_start3A_47 = tpu.memref_squeeze %dma_start3A_46 : memref<1x1x72x64xf32, #tpu.memory_space<vmem>> -> memref<72x64xf32, #tpu.memory_space<vmem>>
    %dma_start3A_48 = arith.constant 128 : i32
    %dma_start3A_49 = tpu.memref_slice %arg6[%dma_start3A_41, %dma_start3A_48] : memref<128x200xi32, #tpu.memory_space<vmem>> -> memref<1x72xi32, #tpu.memory_space<vmem>>
    %dma_start3A_50 = tpu.memref_squeeze %dma_start3A_49 : memref<1x72xi32, #tpu.memory_space<vmem>> -> memref<72xi32, #tpu.memory_space<vmem>>
    %dma_start3A_51 = arith.constant 0 : i32
    %dma_start3A_52 = arith.constant 0 : i32
    %dma_start3A_53 = tpu.memref_slice %arg3[%dma_start3A_51, %dma_start3A_52] : memref<1000000x64xf32, #tpu.memory_space<hbm>> -> memref<1000000x64xf32, #tpu.memory_space<hbm>>
    tpu.enqueue_indirect_dma source(%dma_start3A_53 : memref<1000000x64xf32, #tpu.memory_space<hbm>>) target(%dma_start3A_47 : memref<72x64xf32, #tpu.memory_space<vmem>>) offsets(%dma_start3A_50 : memref<72xi32, #tpu.memory_space<vmem>>) semaphore(%arg9 : memref<!tpu.dma_semaphore, #tpu.memory_space<semaphore_mem>>)
    %scan3A = arith.constant 0 : i32
    %scan3A_54 = arith.constant 32 : i32
    %scan3A_55 = arith.addi %scan3A, %scan3A_54 : i32
    %scan3A_56 = arith.constant 1 : i32
    scf.for %scan3A_76 = %scan3A to %scan3A_55 step %scan3A_56  : i32 {
      %mul3A_77 = arith.constant 1 : i32
      %mul3A_78 = arith.muli %scan3A_76, %mul3A_77 : i32
      %add3A_79 = arith.constant 0 : i32
      %add3A_80 = arith.addi %add3A_79, %mul3A_78 : i32
      %mul3A_81 = arith.constant 2 : i32
      %mul3A_82 = arith.muli %add3A_80, %mul3A_81 : i32
      %add3A_83 = arith.constant 0 : i32
      %add3A_84 = arith.addi %mul3A_82, %add3A_83 : i32
      %gt3A = arith.constant 0 : i32
      %gt3A_85 = arith.cmpi sgt, %add3A_84, %gt3A : i32
      %convert_element_type3A = arith.extui %gt3A_85 : i1 to i32
      %cond3A = arith.constant 0 : i32
      %cond3A_86 = arith.cmpi ne, %convert_element_type3A, %cond3A : i32
      scf.if %cond3A_86 {
        %dma_wait3A_195 = arith.constant 1 : i32
        %dma_wait3A_196 = arith.constant 0 : i32
        %dma_wait3A_197 = arith.constant 0 : i32
        %dma_wait3A_198 = arith.constant 0 : i32
        %dma_wait3A_199 = tpu.memref_slice %arg7[%dma_wait3A_195, %dma_wait3A_196, %dma_wait3A_197, %dma_wait3A_198] : memref<2x2x200x64xf32, #tpu.memory_space<vmem>> -> memref<1x2x200x64xf32, #tpu.memory_space<vmem>>
        %dma_wait3A_200 = tpu.memref_squeeze %dma_wait3A_199 : memref<1x2x200x64xf32, #tpu.memory_space<vmem>> -> memref<2x200x64xf32, #tpu.memory_space<vmem>>
        %dma_wait3A_201 = arith.constant 0 : i32
        %dma_wait3A_202 = arith.constant 0 : i32
        %dma_wait3A_203 = arith.constant 0 : i32
        %dma_wait3A_204 = tpu.memref_slice %arg5[%dma_wait3A_201, %dma_wait3A_202, %dma_wait3A_203] : memref<4096x200x64xf32, #tpu.memory_space<hbm>> -> memref<2x200x64xf32, #tpu.memory_space<hbm>>
        %dma_wait3A_205 = arith.constant 0 : i32
        %dma_wait3A_206 = arith.constant 0 : i32
        %dma_wait3A_207 = arith.constant 0 : i32
        %dma_wait3A_208 = tpu.memref_slice %arg5[%dma_wait3A_205, %dma_wait3A_206, %dma_wait3A_207] : memref<4096x200x64xf32, #tpu.memory_space<hbm>> -> memref<2x200x64xf32, #tpu.memory_space<hbm>>
        %dma_wait3A_209 = arith.constant 0 : i32
        %dma_wait3A_210 = arith.constant 0 : i32
        %dma_wait3A_211 = arith.constant 0 : i32
        %dma_wait3A_212 = tpu.memref_slice %arg7[%dma_wait3A_195, %dma_wait3A_209, %dma_wait3A_210, %dma_wait3A_211] : memref<2x2x200x64xf32, #tpu.memory_space<vmem>> -> memref<1x2x200x64xf32, #tpu.memory_space<vmem>>
        %dma_wait3A_213 = tpu.memref_squeeze %dma_wait3A_212 : memref<1x2x200x64xf32, #tpu.memory_space<vmem>> -> memref<2x200x64xf32, #tpu.memory_space<vmem>>
        tpu.wait_dma2 semaphore(%arg12 : memref<!tpu.dma_semaphore, #tpu.memory_space<semaphore_mem>>) src(%dma_wait3A_213 : memref<2x200x64xf32, #tpu.memory_space<vmem>>) dst(%dma_wait3A_208 : memref<2x200x64xf32, #tpu.memory_space<hbm>>)
      } else {
      }
      %add3A_87 = arith.constant 1 : i32
      %add3A_88 = arith.addi %add3A_84, %add3A_87 : i32
      %lt3A = arith.constant 64 : i32
      %lt3A_89 = arith.cmpi slt, %add3A_88, %lt3A : i32
      %convert_element_type3A_90 = arith.extui %lt3A_89 : i1 to i32
      %cond3A_91 = arith.constant 0 : i32
      %cond3A_92 = arith.cmpi ne, %convert_element_type3A_90, %cond3A_91 : i32
      scf.if %cond3A_92 {
        %add3A_195 = arith.constant 1 : i32
        %add3A_196 = arith.addi %add3A_84, %add3A_195 : i32
        %mul3A_197 = arith.constant 2 : i32
        %mul3A_198 = arith.muli %add3A_196, %mul3A_197 : i32
        %add3A_199 = arith.constant 0 : i32
        %add3A_200 = arith.addi %mul3A_198, %add3A_199 : i32
        %dma_start3A_201 = arith.constant 1 : i32
        %dma_start3A_202 = arith.constant 0 : i32
        %dma_start3A_203 = arith.constant 0 : i32
        %dma_start3A_204 = arith.constant 0 : i32
        %dma_start3A_205 = tpu.memref_slice %arg7[%dma_start3A_201, %dma_start3A_202, %dma_start3A_203, %dma_start3A_204] : memref<2x2x200x64xf32, #tpu.memory_space<vmem>> -> memref<1x1x128x64xf32, #tpu.memory_space<vmem>>
        %dma_start3A_206 = tpu.memref_squeeze %dma_start3A_205 : memref<1x1x128x64xf32, #tpu.memory_space<vmem>> -> memref<128x64xf32, #tpu.memory_space<vmem>>
        %dma_start3A_207 = arith.constant 0 : i32
        %dma_start3A_208 = tpu.memref_slice %arg6[%add3A_200, %dma_start3A_207] : memref<128x200xi32, #tpu.memory_space<vmem>> -> memref<1x128xi32, #tpu.memory_space<vmem>>
        %dma_start3A_209 = tpu.memref_squeeze %dma_start3A_208 : memref<1x128xi32, #tpu.memory_space<vmem>> -> memref<128xi32, #tpu.memory_space<vmem>>
        %dma_start3A_210 = arith.constant 0 : i32
        %dma_start3A_211 = arith.constant 0 : i32
        %dma_start3A_212 = tpu.memref_slice %arg3[%dma_start3A_210, %dma_start3A_211] : memref<1000000x64xf32, #tpu.memory_space<hbm>> -> memref<1000000x64xf32, #tpu.memory_space<hbm>>
        tpu.enqueue_indirect_dma source(%dma_start3A_212 : memref<1000000x64xf32, #tpu.memory_space<hbm>>) target(%dma_start3A_206 : memref<128x64xf32, #tpu.memory_space<vmem>>) offsets(%dma_start3A_209 : memref<128xi32, #tpu.memory_space<vmem>>) semaphore(%arg10 : memref<!tpu.dma_semaphore, #tpu.memory_space<semaphore_mem>>)
        %mul3A_213 = arith.constant 2 : i32
        %mul3A_214 = arith.muli %add3A_196, %mul3A_213 : i32
        %add3A_215 = arith.constant 0 : i32
        %add3A_216 = arith.addi %mul3A_214, %add3A_215 : i32
        %dma_start3A_217 = arith.constant 1 : i32
        %dma_start3A_218 = arith.constant 0 : i32
        %dma_start3A_219 = arith.constant 128 : i32
        %dma_start3A_220 = arith.constant 0 : i32
        %dma_start3A_221 = tpu.memref_slice %arg7[%dma_start3A_217, %dma_start3A_218, %dma_start3A_219, %dma_start3A_220] : memref<2x2x200x64xf32, #tpu.memory_space<vmem>> -> memref<1x1x72x64xf32, #tpu.memory_space<vmem>>
        %dma_start3A_222 = tpu.memref_squeeze %dma_start3A_221 : memref<1x1x72x64xf32, #tpu.memory_space<vmem>> -> memref<72x64xf32, #tpu.memory_space<vmem>>
        %dma_start3A_223 = arith.constant 128 : i32
        %dma_start3A_224 = tpu.memref_slice %arg6[%add3A_216, %dma_start3A_223] : memref<128x200xi32, #tpu.memory_space<vmem>> -> memref<1x72xi32, #tpu.memory_space<vmem>>
        %dma_start3A_225 = tpu.memref_squeeze %dma_start3A_224 : memref<1x72xi32, #tpu.memory_space<vmem>> -> memref<72xi32, #tpu.memory_space<vmem>>
        %dma_start3A_226 = arith.constant 0 : i32
        %dma_start3A_227 = arith.constant 0 : i32
        %dma_start3A_228 = tpu.memref_slice %arg3[%dma_start3A_226, %dma_start3A_227] : memref<1000000x64xf32, #tpu.memory_space<hbm>> -> memref<1000000x64xf32, #tpu.memory_space<hbm>>
        tpu.enqueue_indirect_dma source(%dma_start3A_228 : memref<1000000x64xf32, #tpu.memory_space<hbm>>) target(%dma_start3A_222 : memref<72x64xf32, #tpu.memory_space<vmem>>) offsets(%dma_start3A_225 : memref<72xi32, #tpu.memory_space<vmem>>) semaphore(%arg10 : memref<!tpu.dma_semaphore, #tpu.memory_space<semaphore_mem>>)
        %mul3A_229 = arith.constant 2 : i32
        %mul3A_230 = arith.muli %add3A_196, %mul3A_229 : i32
        %add3A_231 = arith.constant 1 : i32
        %add3A_232 = arith.addi %mul3A_230, %add3A_231 : i32
        %dma_start3A_233 = arith.constant 1 : i32
        %dma_start3A_234 = arith.constant 1 : i32
        %dma_start3A_235 = arith.constant 0 : i32
        %dma_start3A_236 = arith.constant 0 : i32
        %dma_start3A_237 = tpu.memref_slice %arg7[%dma_start3A_233, %dma_start3A_234, %dma_start3A_235, %dma_start3A_236] : memref<2x2x200x64xf32, #tpu.memory_space<vmem>> -> memref<1x1x128x64xf32, #tpu.memory_space<vmem>>
        %dma_start3A_238 = tpu.memref_squeeze %dma_start3A_237 : memref<1x1x128x64xf32, #tpu.memory_space<vmem>> -> memref<128x64xf32, #tpu.memory_space<vmem>>
        %dma_start3A_239 = arith.constant 0 : i32
        %dma_start3A_240 = tpu.memref_slice %arg6[%add3A_232, %dma_start3A_239] : memref<128x200xi32, #tpu.memory_space<vmem>> -> memref<1x128xi32, #tpu.memory_space<vmem>>
        %dma_start3A_241 = tpu.memref_squeeze %dma_start3A_240 : memref<1x128xi32, #tpu.memory_space<vmem>> -> memref<128xi32, #tpu.memory_space<vmem>>
        %dma_start3A_242 = arith.constant 0 : i32
        %dma_start3A_243 = arith.constant 0 : i32
        %dma_start3A_244 = tpu.memref_slice %arg3[%dma_start3A_242, %dma_start3A_243] : memref<1000000x64xf32, #tpu.memory_space<hbm>> -> memref<1000000x64xf32, #tpu.memory_space<hbm>>
        tpu.enqueue_indirect_dma source(%dma_start3A_244 : memref<1000000x64xf32, #tpu.memory_space<hbm>>) target(%dma_start3A_238 : memref<128x64xf32, #tpu.memory_space<vmem>>) offsets(%dma_start3A_241 : memref<128xi32, #tpu.memory_space<vmem>>) semaphore(%arg10 : memref<!tpu.dma_semaphore, #tpu.memory_space<semaphore_mem>>)
        %mul3A_245 = arith.constant 2 : i32
        %mul3A_246 = arith.muli %add3A_196, %mul3A_245 : i32
        %add3A_247 = arith.constant 1 : i32
        %add3A_248 = arith.addi %mul3A_246, %add3A_247 : i32
        %dma_start3A_249 = arith.constant 1 : i32
        %dma_start3A_250 = arith.constant 1 : i32
        %dma_start3A_251 = arith.constant 128 : i32
        %dma_start3A_252 = arith.constant 0 : i32
        %dma_start3A_253 = tpu.memref_slice %arg7[%dma_start3A_249, %dma_start3A_250, %dma_start3A_251, %dma_start3A_252] : memref<2x2x200x64xf32, #tpu.memory_space<vmem>> -> memref<1x1x72x64xf32, #tpu.memory_space<vmem>>
        %dma_start3A_254 = tpu.memref_squeeze %dma_start3A_253 : memref<1x1x72x64xf32, #tpu.memory_space<vmem>> -> memref<72x64xf32, #tpu.memory_space<vmem>>
        %dma_start3A_255 = arith.constant 128 : i32
        %dma_start3A_256 = tpu.memref_slice %arg6[%add3A_248, %dma_start3A_255] : memref<128x200xi32, #tpu.memory_space<vmem>> -> memref<1x72xi32, #tpu.memory_space<vmem>>
        %dma_start3A_257 = tpu.memref_squeeze %dma_start3A_256 : memref<1x72xi32, #tpu.memory_space<vmem>> -> memref<72xi32, #tpu.memory_space<vmem>>
        %dma_start3A_258 = arith.constant 0 : i32
        %dma_start3A_259 = arith.constant 0 : i32
        %dma_start3A_260 = tpu.memref_slice %arg3[%dma_start3A_258, %dma_start3A_259] : memref<1000000x64xf32, #tpu.memory_space<hbm>> -> memref<1000000x64xf32, #tpu.memory_space<hbm>>
        tpu.enqueue_indirect_dma source(%dma_start3A_260 : memref<1000000x64xf32, #tpu.memory_space<hbm>>) target(%dma_start3A_254 : memref<72x64xf32, #tpu.memory_space<vmem>>) offsets(%dma_start3A_257 : memref<72xi32, #tpu.memory_space<vmem>>) semaphore(%arg10 : memref<!tpu.dma_semaphore, #tpu.memory_space<semaphore_mem>>)
      } else {
      }
      %dma_wait3A_93 = arith.constant 0 : i32
      %dma_wait3A_94 = arith.constant 0 : i32
      %dma_wait3A_95 = arith.constant 0 : i32
      %dma_wait3A_96 = arith.constant 0 : i32
      %dma_wait3A_97 = tpu.memref_slice %arg7[%dma_wait3A_93, %dma_wait3A_94, %dma_wait3A_95, %dma_wait3A_96] : memref<2x2x200x64xf32, #tpu.memory_space<vmem>> -> memref<1x2x200x64xf32, #tpu.memory_space<vmem>>
      %dma_wait3A_98 = tpu.memref_squeeze %dma_wait3A_97 : memref<1x2x200x64xf32, #tpu.memory_space<vmem>> -> memref<2x200x64xf32, #tpu.memory_space<vmem>>
      %dma_wait3A_99 = arith.constant 0 : i32
      %dma_wait3A_100 = arith.constant 0 : i32
      %dma_wait3A_101 = arith.constant 0 : i32
      %dma_wait3A_102 = tpu.memref_slice %arg5[%dma_wait3A_99, %dma_wait3A_100, %dma_wait3A_101] : memref<4096x200x64xf32, #tpu.memory_space<hbm>> -> memref<2x200x64xf32, #tpu.memory_space<hbm>>
      %dma_wait3A_103 = arith.constant 0 : i32
      %dma_wait3A_104 = arith.constant 0 : i32
      %dma_wait3A_105 = arith.constant 0 : i32
      %dma_wait3A_106 = tpu.memref_slice %arg7[%dma_wait3A_93, %dma_wait3A_103, %dma_wait3A_104, %dma_wait3A_105] : memref<2x2x200x64xf32, #tpu.memory_space<vmem>> -> memref<1x2x200x64xf32, #tpu.memory_space<vmem>>
      %dma_wait3A_107 = tpu.memref_squeeze %dma_wait3A_106 : memref<1x2x200x64xf32, #tpu.memory_space<vmem>> -> memref<2x200x64xf32, #tpu.memory_space<vmem>>
      %dma_wait3A_108 = arith.constant 0 : i32
      %dma_wait3A_109 = arith.constant 0 : i32
      %dma_wait3A_110 = arith.constant 0 : i32
      %dma_wait3A_111 = tpu.memref_slice %arg5[%dma_wait3A_108, %dma_wait3A_109, %dma_wait3A_110] : memref<4096x200x64xf32, #tpu.memory_space<hbm>> -> memref<2x200x64xf32, #tpu.memory_space<hbm>>
      tpu.wait_dma2 semaphore(%arg9 : memref<!tpu.dma_semaphore, #tpu.memory_space<semaphore_mem>>) src(%dma_wait3A_111 : memref<2x200x64xf32, #tpu.memory_space<hbm>>) dst(%dma_wait3A_107 : memref<2x200x64xf32, #tpu.memory_space<vmem>>)
      %scan3A_112 = arith.constant 0 : i32
      %scan3A_113 = arith.constant 200 : i32
      %scan3A_114 = arith.addi %scan3A_112, %scan3A_113 : i32
      %scan3A_115 = arith.constant 2 : i32
      scf.for %scan3A_195 = %scan3A_112 to %scan3A_114 step %scan3A_115  : i32 {
        %mul3A_196 = arith.constant 1 : i32
        %mul3A_197 = arith.muli %scan3A_195, %mul3A_196 : i32
        %add3A_198 = arith.constant 0 : i32
        %add3A_199 = arith.addi %add3A_198, %mul3A_197 : i32
        %get3A = arith.index_cast %add3A_199 : i32 to index
        %get3A_200 = arith.constant 0 : index
        %get3A_201 = tpu.vector_load %arg8[%get3A, %get3A_200] {strides = array<i32>} : memref<200x64xf32, #tpu.memory_space<vmem>>, vector<1x16xf32>,
        %get3A_202 = vector.shape_cast %get3A_201 : vector<1x16xf32> to vector<16xf32>
        %swap3A = arith.constant 0 : i32
        %swap3A_203 = arith.constant 0 : i32
        %swap3A_204 = arith.index_cast %swap3A : i32 to index
        %swap3A_205 = arith.index_cast %swap3A_203 : i32 to index
        %swap3A_206 = arith.index_cast %add3A_199 : i32 to index
        %swap3A_207 = arith.constant 0 : index
        %swap3A_208 = tpu.vector_load %arg7[%swap3A_204, %swap3A_205, %swap3A_206, %swap3A_207] {strides = array<i32>} : memref<2x2x200x64xf32, #tpu.memory_space<vmem>>, vector<1x1x1x16xf32>,
        %swap3A_209 = vector.shape_cast %swap3A_208 : vector<1x1x1x16xf32> to vector<16xf32>
        %swap3A_210 = vector.shape_cast %get3A_202 : vector<16xf32> to vector<1x1x1x16xf32>
        tpu.vector_store %arg7[%swap3A_204, %swap3A_205, %swap3A_206, %swap3A_207], %swap3A_210 {add = true, strides = array<i32>} : memref<2x2x200x64xf32, #tpu.memory_space<vmem>>, vector<1x1x1x16xf32>,
        %swap3A_211 = arith.constant 0 : i32
        %swap3A_212 = arith.constant 1 : i32
        %swap3A_213 = arith.index_cast %swap3A_211 : i32 to index
        %swap3A_214 = arith.index_cast %swap3A_212 : i32 to index
        %swap3A_215 = arith.index_cast %add3A_199 : i32 to index
        %swap3A_216 = arith.constant 0 : index
        %swap3A_217 = tpu.vector_load %arg7[%swap3A_213, %swap3A_214, %swap3A_215, %swap3A_216] {strides = array<i32>} : memref<2x2x200x64xf32, #tpu.memory_space<vmem>>, vector<1x1x1x16xf32>,
        %swap3A_218 = vector.shape_cast %swap3A_217 : vector<1x1x1x16xf32> to vector<16xf32>
        %swap3A_219 = vector.shape_cast %get3A_202 : vector<16xf32> to vector<1x1x1x16xf32>
        tpu.vector_store %arg7[%swap3A_213, %swap3A_214, %swap3A_215, %swap3A_216], %swap3A_219 {add = true, strides = array<i32>} : memref<2x2x200x64xf32, #tpu.memory_space<vmem>>, vector<1x1x1x16xf32>,
        %get3A_220 = arith.index_cast %add3A_199 : i32 to index
        %get3A_221 = arith.constant 16 : index
        %get3A_222 = tpu.vector_load %arg8[%get3A_220, %get3A_221] {strides = array<i32>} : memref<200x64xf32, #tpu.memory_space<vmem>>, vector<1x16xf32>,
        %get3A_223 = vector.shape_cast %get3A_222 : vector<1x16xf32> to vector<16xf32>
        %swap3A_224 = arith.constant 0 : i32
        %swap3A_225 = arith.constant 0 : i32
        %swap3A_226 = arith.index_cast %swap3A_224 : i32 to index
        %swap3A_227 = arith.index_cast %swap3A_225 : i32 to index
        %swap3A_228 = arith.index_cast %add3A_199 : i32 to index
        %swap3A_229 = arith.constant 16 : index
        %swap3A_230 = tpu.vector_load %arg7[%swap3A_226, %swap3A_227, %swap3A_228, %swap3A_229] {strides = array<i32>} : memref<2x2x200x64xf32, #tpu.memory_space<vmem>>, vector<1x1x1x16xf32>,
        %swap3A_231 = vector.shape_cast %swap3A_230 : vector<1x1x1x16xf32> to vector<16xf32>
        %swap3A_232 = vector.shape_cast %get3A_223 : vector<16xf32> to vector<1x1x1x16xf32>
        tpu.vector_store %arg7[%swap3A_226, %swap3A_227, %swap3A_228, %swap3A_229], %swap3A_232 {add = true, strides = array<i32>} : memref<2x2x200x64xf32, #tpu.memory_space<vmem>>, vector<1x1x1x16xf32>,
        %swap3A_233 = arith.constant 0 : i32
        %swap3A_234 = arith.constant 1 : i32
        %swap3A_235 = arith.index_cast %swap3A_233 : i32 to index
        %swap3A_236 = arith.index_cast %swap3A_234 : i32 to index
        %swap3A_237 = arith.index_cast %add3A_199 : i32 to index
        %swap3A_238 = arith.constant 16 : index
        %swap3A_239 = tpu.vector_load %arg7[%swap3A_235, %swap3A_236, %swap3A_237, %swap3A_238] {strides = array<i32>} : memref<2x2x200x64xf32, #tpu.memory_space<vmem>>, vector<1x1x1x16xf32>,
        %swap3A_240 = vector.shape_cast %swap3A_239 : vector<1x1x1x16xf32> to vector<16xf32>
        %swap3A_241 = vector.shape_cast %get3A_223 : vector<16xf32> to vector<1x1x1x16xf32>
        tpu.vector_store %arg7[%swap3A_235, %swap3A_236, %swap3A_237, %swap3A_238], %swap3A_241 {add = true, strides = array<i32>} : memref<2x2x200x64xf32, #tpu.memory_space<vmem>>, vector<1x1x1x16xf32>,
        %get3A_242 = arith.index_cast %add3A_199 : i32 to index
        %get3A_243 = arith.constant 32 : index
        %get3A_244 = tpu.vector_load %arg8[%get3A_242, %get3A_243] {strides = array<i32>} : memref<200x64xf32, #tpu.memory_space<vmem>>, vector<1x16xf32>,
        %get3A_245 = vector.shape_cast %get3A_244 : vector<1x16xf32> to vector<16xf32>
        %swap3A_246 = arith.constant 0 : i32
        %swap3A_247 = arith.constant 0 : i32
        %swap3A_248 = arith.index_cast %swap3A_246 : i32 to index
        %swap3A_249 = arith.index_cast %swap3A_247 : i32 to index
        %swap3A_250 = arith.index_cast %add3A_199 : i32 to index
        %swap3A_251 = arith.constant 32 : index
        %swap3A_252 = tpu.vector_load %arg7[%swap3A_248, %swap3A_249, %swap3A_250, %swap3A_251] {strides = array<i32>} : memref<2x2x200x64xf32, #tpu.memory_space<vmem>>, vector<1x1x1x16xf32>,
        %swap3A_253 = vector.shape_cast %swap3A_252 : vector<1x1x1x16xf32> to vector<16xf32>
        %swap3A_254 = vector.shape_cast %get3A_245 : vector<16xf32> to vector<1x1x1x16xf32>
        tpu.vector_store %arg7[%swap3A_248, %swap3A_249, %swap3A_250, %swap3A_251], %swap3A_254 {add = true, strides = array<i32>} : memref<2x2x200x64xf32, #tpu.memory_space<vmem>>, vector<1x1x1x16xf32>,
        %swap3A_255 = arith.constant 0 : i32
        %swap3A_256 = arith.constant 1 : i32
        %swap3A_257 = arith.index_cast %swap3A_255 : i32 to index
        %swap3A_258 = arith.index_cast %swap3A_256 : i32 to index
        %swap3A_259 = arith.index_cast %add3A_199 : i32 to index
        %swap3A_260 = arith.constant 32 : index
        %swap3A_261 = tpu.vector_load %arg7[%swap3A_257, %swap3A_258, %swap3A_259, %swap3A_260] {strides = array<i32>} : memref<2x2x200x64xf32, #tpu.memory_space<vmem>>, vector<1x1x1x16xf32>,
        %swap3A_262 = vector.shape_cast %swap3A_261 : vector<1x1x1x16xf32> to vector<16xf32>
        %swap3A_263 = vector.shape_cast %get3A_245 : vector<16xf32> to vector<1x1x1x16xf32>
        tpu.vector_store %arg7[%swap3A_257, %swap3A_258, %swap3A_259, %swap3A_260], %swap3A_263 {add = true, strides = array<i32>} : memref<2x2x200x64xf32, #tpu.memory_space<vmem>>, vector<1x1x1x16xf32>,
        %get3A_264 = arith.index_cast %add3A_199 : i32 to index
        %get3A_265 = arith.constant 48 : index
        %get3A_266 = tpu.vector_load %arg8[%get3A_264, %get3A_265] {strides = array<i32>} : memref<200x64xf32, #tpu.memory_space<vmem>>, vector<1x16xf32>,
        %get3A_267 = vector.shape_cast %get3A_266 : vector<1x16xf32> to vector<16xf32>
        %swap3A_268 = arith.constant 0 : i32
        %swap3A_269 = arith.constant 0 : i32
        %swap3A_270 = arith.index_cast %swap3A_268 : i32 to index
        %swap3A_271 = arith.index_cast %swap3A_269 : i32 to index
        %swap3A_272 = arith.index_cast %add3A_199 : i32 to index
        %swap3A_273 = arith.constant 48 : index
        %swap3A_274 = tpu.vector_load %arg7[%swap3A_270, %swap3A_271, %swap3A_272, %swap3A_273] {strides = array<i32>} : memref<2x2x200x64xf32, #tpu.memory_space<vmem>>, vector<1x1x1x16xf32>,
        %swap3A_275 = vector.shape_cast %swap3A_274 : vector<1x1x1x16xf32> to vector<16xf32>
        %swap3A_276 = vector.shape_cast %get3A_267 : vector<16xf32> to vector<1x1x1x16xf32>
        tpu.vector_store %arg7[%swap3A_270, %swap3A_271, %swap3A_272, %swap3A_273], %swap3A_276 {add = true, strides = array<i32>} : memref<2x2x200x64xf32, #tpu.memory_space<vmem>>, vector<1x1x1x16xf32>,
        %swap3A_277 = arith.constant 0 : i32
        %swap3A_278 = arith.constant 1 : i32
        %swap3A_279 = arith.index_cast %swap3A_277 : i32 to index
        %swap3A_280 = arith.index_cast %swap3A_278 : i32 to index
        %swap3A_281 = arith.index_cast %add3A_199 : i32 to index
        %swap3A_282 = arith.constant 48 : index
        %swap3A_283 = tpu.vector_load %arg7[%swap3A_279, %swap3A_280, %swap3A_281, %swap3A_282] {strides = array<i32>} : memref<2x2x200x64xf32, #tpu.memory_space<vmem>>, vector<1x1x1x16xf32>,
        %swap3A_284 = vector.shape_cast %swap3A_283 : vector<1x1x1x16xf32> to vector<16xf32>
        %swap3A_285 = vector.shape_cast %get3A_267 : vector<16xf32> to vector<1x1x1x16xf32>
        tpu.vector_store %arg7[%swap3A_279, %swap3A_280, %swap3A_281, %swap3A_282], %swap3A_285 {add = true, strides = array<i32>} : memref<2x2x200x64xf32, #tpu.memory_space<vmem>>, vector<1x1x1x16xf32>,
        %scan3A_286 = arith.constant 1 : i32
        %scan3A_287 = arith.addi %scan3A_195, %scan3A_286 : i32
        %mul3A_288 = arith.constant 1 : i32
        %mul3A_289 = arith.muli %scan3A_287, %mul3A_288 : i32
        %add3A_290 = arith.constant 0 : i32
        %add3A_291 = arith.addi %add3A_290, %mul3A_289 : i32
        %get3A_292 = arith.index_cast %add3A_291 : i32 to index
        %get3A_293 = arith.constant 0 : index
        %get3A_294 = tpu.vector_load %arg8[%get3A_292, %get3A_293] {strides = array<i32>} : memref<200x64xf32, #tpu.memory_space<vmem>>, vector<1x16xf32>,
        %get3A_295 = vector.shape_cast %get3A_294 : vector<1x16xf32> to vector<16xf32>
        %swap3A_296 = arith.constant 0 : i32
        %swap3A_297 = arith.constant 0 : i32
        %swap3A_298 = arith.index_cast %swap3A_296 : i32 to index
        %swap3A_299 = arith.index_cast %swap3A_297 : i32 to index
        %swap3A_300 = arith.index_cast %add3A_291 : i32 to index
        %swap3A_301 = arith.constant 0 : index
        %swap3A_302 = tpu.vector_load %arg7[%swap3A_298, %swap3A_299, %swap3A_300, %swap3A_301] {strides = array<i32>} : memref<2x2x200x64xf32, #tpu.memory_space<vmem>>, vector<1x1x1x16xf32>,
        %swap3A_303 = vector.shape_cast %swap3A_302 : vector<1x1x1x16xf32> to vector<16xf32>
        %swap3A_304 = vector.shape_cast %get3A_295 : vector<16xf32> to vector<1x1x1x16xf32>
        tpu.vector_store %arg7[%swap3A_298, %swap3A_299, %swap3A_300, %swap3A_301], %swap3A_304 {add = true, strides = array<i32>} : memref<2x2x200x64xf32, #tpu.memory_space<vmem>>, vector<1x1x1x16xf32>,
        %swap3A_305 = arith.constant 0 : i32
        %swap3A_306 = arith.constant 1 : i32
        %swap3A_307 = arith.index_cast %swap3A_305 : i32 to index
        %swap3A_308 = arith.index_cast %swap3A_306 : i32 to index
        %swap3A_309 = arith.index_cast %add3A_291 : i32 to index
        %swap3A_310 = arith.constant 0 : index
        %swap3A_311 = tpu.vector_load %arg7[%swap3A_307, %swap3A_308, %swap3A_309, %swap3A_310] {strides = array<i32>} : memref<2x2x200x64xf32, #tpu.memory_space<vmem>>, vector<1x1x1x16xf32>,
        %swap3A_312 = vector.shape_cast %swap3A_311 : vector<1x1x1x16xf32> to vector<16xf32>
        %swap3A_313 = vector.shape_cast %get3A_295 : vector<16xf32> to vector<1x1x1x16xf32>
        tpu.vector_store %arg7[%swap3A_307, %swap3A_308, %swap3A_309, %swap3A_310], %swap3A_313 {add = true, strides = array<i32>} : memref<2x2x200x64xf32, #tpu.memory_space<vmem>>, vector<1x1x1x16xf32>,
        %get3A_314 = arith.index_cast %add3A_291 : i32 to index
        %get3A_315 = arith.constant 16 : index
        %get3A_316 = tpu.vector_load %arg8[%get3A_314, %get3A_315] {strides = array<i32>} : memref<200x64xf32, #tpu.memory_space<vmem>>, vector<1x16xf32>,
        %get3A_317 = vector.shape_cast %get3A_316 : vector<1x16xf32> to vector<16xf32>
        %swap3A_318 = arith.constant 0 : i32
        %swap3A_319 = arith.constant 0 : i32
        %swap3A_320 = arith.index_cast %swap3A_318 : i32 to index
        %swap3A_321 = arith.index_cast %swap3A_319 : i32 to index
        %swap3A_322 = arith.index_cast %add3A_291 : i32 to index
        %swap3A_323 = arith.constant 16 : index
        %swap3A_324 = tpu.vector_load %arg7[%swap3A_320, %swap3A_321, %swap3A_322, %swap3A_323] {strides = array<i32>} : memref<2x2x200x64xf32, #tpu.memory_space<vmem>>, vector<1x1x1x16xf32>,
        %swap3A_325 = vector.shape_cast %swap3A_324 : vector<1x1x1x16xf32> to vector<16xf32>
        %swap3A_326 = vector.shape_cast %get3A_317 : vector<16xf32> to vector<1x1x1x16xf32>
        tpu.vector_store %arg7[%swap3A_320, %swap3A_321, %swap3A_322, %swap3A_323], %swap3A_326 {add = true, strides = array<i32>} : memref<2x2x200x64xf32, #tpu.memory_space<vmem>>, vector<1x1x1x16xf32>,
        %swap3A_327 = arith.constant 0 : i32
        %swap3A_328 = arith.constant 1 : i32
        %swap3A_329 = arith.index_cast %swap3A_327 : i32 to index
        %swap3A_330 = arith.index_cast %swap3A_328 : i32 to index
        %swap3A_331 = arith.index_cast %add3A_291 : i32 to index
        %swap3A_332 = arith.constant 16 : index
        %swap3A_333 = tpu.vector_load %arg7[%swap3A_329, %swap3A_330, %swap3A_331, %swap3A_332] {strides = array<i32>} : memref<2x2x200x64xf32, #tpu.memory_space<vmem>>, vector<1x1x1x16xf32>,
        %swap3A_334 = vector.shape_cast %swap3A_333 : vector<1x1x1x16xf32> to vector<16xf32>
        %swap3A_335 = vector.shape_cast %get3A_317 : vector<16xf32> to vector<1x1x1x16xf32>
        tpu.vector_store %arg7[%swap3A_329, %swap3A_330, %swap3A_331, %swap3A_332], %swap3A_335 {add = true, strides = array<i32>} : memref<2x2x200x64xf32, #tpu.memory_space<vmem>>, vector<1x1x1x16xf32>,
        %get3A_336 = arith.index_cast %add3A_291 : i32 to index
        %get3A_337 = arith.constant 32 : index
        %get3A_338 = tpu.vector_load %arg8[%get3A_336, %get3A_337] {strides = array<i32>} : memref<200x64xf32, #tpu.memory_space<vmem>>, vector<1x16xf32>,
        %get3A_339 = vector.shape_cast %get3A_338 : vector<1x16xf32> to vector<16xf32>
        %swap3A_340 = arith.constant 0 : i32
        %swap3A_341 = arith.constant 0 : i32
        %swap3A_342 = arith.index_cast %swap3A_340 : i32 to index
        %swap3A_343 = arith.index_cast %swap3A_341 : i32 to index
        %swap3A_344 = arith.index_cast %add3A_291 : i32 to index
        %swap3A_345 = arith.constant 32 : index
        %swap3A_346 = tpu.vector_load %arg7[%swap3A_342, %swap3A_343, %swap3A_344, %swap3A_345] {strides = array<i32>} : memref<2x2x200x64xf32, #tpu.memory_space<vmem>>, vector<1x1x1x16xf32>,
        %swap3A_347 = vector.shape_cast %swap3A_346 : vector<1x1x1x16xf32> to vector<16xf32>
        %swap3A_348 = vector.shape_cast %get3A_339 : vector<16xf32> to vector<1x1x1x16xf32>
        tpu.vector_store %arg7[%swap3A_342, %swap3A_343, %swap3A_344, %swap3A_345], %swap3A_348 {add = true, strides = array<i32>} : memref<2x2x200x64xf32, #tpu.memory_space<vmem>>, vector<1x1x1x16xf32>,
        %swap3A_349 = arith.constant 0 : i32
        %swap3A_350 = arith.constant 1 : i32
        %swap3A_351 = arith.index_cast %swap3A_349 : i32 to index
        %swap3A_352 = arith.index_cast %swap3A_350 : i32 to index
        %swap3A_353 = arith.index_cast %add3A_291 : i32 to index
        %swap3A_354 = arith.constant 32 : index
        %swap3A_355 = tpu.vector_load %arg7[%swap3A_351, %swap3A_352, %swap3A_353, %swap3A_354] {strides = array<i32>} : memref<2x2x200x64xf32, #tpu.memory_space<vmem>>, vector<1x1x1x16xf32>,
        %swap3A_356 = vector.shape_cast %swap3A_355 : vector<1x1x1x16xf32> to vector<16xf32>
        %swap3A_357 = vector.shape_cast %get3A_339 : vector<16xf32> to vector<1x1x1x16xf32>
        tpu.vector_store %arg7[%swap3A_351, %swap3A_352, %swap3A_353, %swap3A_354], %swap3A_357 {add = true, strides = array<i32>} : memref<2x2x200x64xf32, #tpu.memory_space<vmem>>, vector<1x1x1x16xf32>,
        %get3A_358 = arith.index_cast %add3A_291 : i32 to index
        %get3A_359 = arith.constant 48 : index
        %get3A_360 = tpu.vector_load %arg8[%get3A_358, %get3A_359] {strides = array<i32>} : memref<200x64xf32, #tpu.memory_space<vmem>>, vector<1x16xf32>,
        %get3A_361 = vector.shape_cast %get3A_360 : vector<1x16xf32> to vector<16xf32>
        %swap3A_362 = arith.constant 0 : i32
        %swap3A_363 = arith.constant 0 : i32
        %swap3A_364 = arith.index_cast %swap3A_362 : i32 to index
        %swap3A_365 = arith.index_cast %swap3A_363 : i32 to index
        %swap3A_366 = arith.index_cast %add3A_291 : i32 to index
        %swap3A_367 = arith.constant 48 : index
        %swap3A_368 = tpu.vector_load %arg7[%swap3A_364, %swap3A_365, %swap3A_366, %swap3A_367] {strides = array<i32>} : memref<2x2x200x64xf32, #tpu.memory_space<vmem>>, vector<1x1x1x16xf32>,
        %swap3A_369 = vector.shape_cast %swap3A_368 : vector<1x1x1x16xf32> to vector<16xf32>
        %swap3A_370 = vector.shape_cast %get3A_361 : vector<16xf32> to vector<1x1x1x16xf32>
        tpu.vector_store %arg7[%swap3A_364, %swap3A_365, %swap3A_366, %swap3A_367], %swap3A_370 {add = true, strides = array<i32>} : memref<2x2x200x64xf32, #tpu.memory_space<vmem>>, vector<1x1x1x16xf32>,
        %swap3A_371 = arith.constant 0 : i32
        %swap3A_372 = arith.constant 1 : i32
        %swap3A_373 = arith.index_cast %swap3A_371 : i32 to index
        %swap3A_374 = arith.index_cast %swap3A_372 : i32 to index
        %swap3A_375 = arith.index_cast %add3A_291 : i32 to index
        %swap3A_376 = arith.constant 48 : index
        %swap3A_377 = tpu.vector_load %arg7[%swap3A_373, %swap3A_374, %swap3A_375, %swap3A_376] {strides = array<i32>} : memref<2x2x200x64xf32, #tpu.memory_space<vmem>>, vector<1x1x1x16xf32>,
        %swap3A_378 = vector.shape_cast %swap3A_377 : vector<1x1x1x16xf32> to vector<16xf32>
        %swap3A_379 = vector.shape_cast %get3A_361 : vector<16xf32> to vector<1x1x1x16xf32>
        tpu.vector_store %arg7[%swap3A_373, %swap3A_374, %swap3A_375, %swap3A_376], %swap3A_379 {add = true, strides = array<i32>} : memref<2x2x200x64xf32, #tpu.memory_space<vmem>>, vector<1x1x1x16xf32>,
      }
      %scan3A_116 = arith.constant 200 : i32
      %mul3A_117 = arith.constant 2 : i32
      %mul3A_118 = arith.muli %add3A_84, %mul3A_117 : i32
      %add3A_119 = arith.addi %mul3A_2, %mul3A_118 : i32
      %dma_start3A_120 = arith.constant 0 : i32
      %dma_start3A_121 = arith.constant 0 : i32
      %dma_start3A_122 = arith.constant 0 : i32
      %dma_start3A_123 = arith.constant 0 : i32
      %dma_start3A_124 = tpu.memref_slice %arg7[%dma_start3A_120, %dma_start3A_121, %dma_start3A_122, %dma_start3A_123] : memref<2x2x200x64xf32, #tpu.memory_space<vmem>> -> memref<1x2x200x64xf32, #tpu.memory_space<vmem>>
      %dma_start3A_125 = tpu.memref_squeeze %dma_start3A_124 : memref<1x2x200x64xf32, #tpu.memory_space<vmem>> -> memref<2x200x64xf32, #tpu.memory_space<vmem>>
      %dma_start3A_126 = arith.constant 0 : i32
      %dma_start3A_127 = arith.constant 0 : i32
      %dma_start3A_128 = tpu.memref_slice %arg5[%add3A_119, %dma_start3A_126, %dma_start3A_127] : memref<4096x200x64xf32, #tpu.memory_space<hbm>> -> memref<2x200x64xf32, #tpu.memory_space<hbm>>
      %dma_start3A_129 = arith.constant 0 : i32
      %dma_start3A_130 = arith.constant 0 : i32
      %dma_start3A_131 = tpu.memref_slice %arg5[%add3A_119, %dma_start3A_129, %dma_start3A_130] : memref<4096x200x64xf32, #tpu.memory_space<hbm>> -> memref<2x200x64xf32, #tpu.memory_space<hbm>>
      %dma_start3A_132 = arith.constant 0 : i32
      %dma_start3A_133 = arith.constant 0 : i32
      %dma_start3A_134 = arith.constant 0 : i32
      %dma_start3A_135 = tpu.memref_slice %arg7[%dma_start3A_120, %dma_start3A_132, %dma_start3A_133, %dma_start3A_134] : memref<2x2x200x64xf32, #tpu.memory_space<vmem>> -> memref<1x2x200x64xf32, #tpu.memory_space<vmem>>
      %dma_start3A_136 = tpu.memref_squeeze %dma_start3A_135 : memref<1x2x200x64xf32, #tpu.memory_space<vmem>> -> memref<2x200x64xf32, #tpu.memory_space<vmem>>
      tpu.enqueue_dma source(%dma_start3A_136 : memref<2x200x64xf32, #tpu.memory_space<vmem>>) target(%dma_start3A_131 : memref<2x200x64xf32, #tpu.memory_space<hbm>>) target_semaphore(%arg11 : memref<!tpu.dma_semaphore, #tpu.memory_space<semaphore_mem>>)
      %add3A_137 = arith.constant 1 : i32
      %add3A_138 = arith.addi %mul3A_82, %add3A_137 : i32
      %gt3A_139 = arith.constant 0 : i32
      %gt3A_140 = arith.cmpi sgt, %add3A_138, %gt3A_139 : i32
      %convert_element_type3A_141 = arith.extui %gt3A_140 : i1 to i32
      %cond3A_142 = arith.constant 0 : i32
      %cond3A_143 = arith.cmpi ne, %convert_element_type3A_141, %cond3A_142 : i32
      scf.if %cond3A_143 {
        %dma_wait3A_195 = arith.constant 0 : i32
        %dma_wait3A_196 = arith.constant 0 : i32
        %dma_wait3A_197 = arith.constant 0 : i32
        %dma_wait3A_198 = arith.constant 0 : i32
        %dma_wait3A_199 = tpu.memref_slice %arg7[%dma_wait3A_195, %dma_wait3A_196, %dma_wait3A_197, %dma_wait3A_198] : memref<2x2x200x64xf32, #tpu.memory_space<vmem>> -> memref<1x2x200x64xf32, #tpu.memory_space<vmem>>
        %dma_wait3A_200 = tpu.memref_squeeze %dma_wait3A_199 : memref<1x2x200x64xf32, #tpu.memory_space<vmem>> -> memref<2x200x64xf32, #tpu.memory_space<vmem>>
        %dma_wait3A_201 = arith.constant 0 : i32
        %dma_wait3A_202 = arith.constant 0 : i32
        %dma_wait3A_203 = arith.constant 0 : i32
        %dma_wait3A_204 = tpu.memref_slice %arg5[%dma_wait3A_201, %dma_wait3A_202, %dma_wait3A_203] : memref<4096x200x64xf32, #tpu.memory_space<hbm>> -> memref<2x200x64xf32, #tpu.memory_space<hbm>>
        %dma_wait3A_205 = arith.constant 0 : i32
        %dma_wait3A_206 = arith.constant 0 : i32
        %dma_wait3A_207 = arith.constant 0 : i32
        %dma_wait3A_208 = tpu.memref_slice %arg5[%dma_wait3A_205, %dma_wait3A_206, %dma_wait3A_207] : memref<4096x200x64xf32, #tpu.memory_space<hbm>> -> memref<2x200x64xf32, #tpu.memory_space<hbm>>
        %dma_wait3A_209 = arith.constant 0 : i32
        %dma_wait3A_210 = arith.constant 0 : i32
        %dma_wait3A_211 = arith.constant 0 : i32
        %dma_wait3A_212 = tpu.memref_slice %arg7[%dma_wait3A_195, %dma_wait3A_209, %dma_wait3A_210, %dma_wait3A_211] : memref<2x2x200x64xf32, #tpu.memory_space<vmem>> -> memref<1x2x200x64xf32, #tpu.memory_space<vmem>>
        %dma_wait3A_213 = tpu.memref_squeeze %dma_wait3A_212 : memref<1x2x200x64xf32, #tpu.memory_space<vmem>> -> memref<2x200x64xf32, #tpu.memory_space<vmem>>
        tpu.wait_dma2 semaphore(%arg11 : memref<!tpu.dma_semaphore, #tpu.memory_space<semaphore_mem>>) src(%dma_wait3A_213 : memref<2x200x64xf32, #tpu.memory_space<vmem>>) dst(%dma_wait3A_208 : memref<2x200x64xf32, #tpu.memory_space<hbm>>)
      } else {
      }
      %add3A_144 = arith.constant 1 : i32
      %add3A_145 = arith.addi %add3A_138, %add3A_144 : i32
      %lt3A_146 = arith.constant 64 : i32
      %lt3A_147 = arith.cmpi slt, %add3A_145, %lt3A_146 : i32
      %convert_element_type3A_148 = arith.extui %lt3A_147 : i1 to i32
      %cond3A_149 = arith.constant 0 : i32
      %cond3A_150 = arith.cmpi ne, %convert_element_type3A_148, %cond3A_149 : i32
      scf.if %cond3A_150 {
        %add3A_195 = arith.constant 1 : i32
        %add3A_196 = arith.addi %add3A_138, %add3A_195 : i32
        %mul3A_197 = arith.constant 2 : i32
        %mul3A_198 = arith.muli %add3A_196, %mul3A_197 : i32
        %add3A_199 = arith.constant 0 : i32
        %add3A_200 = arith.addi %mul3A_198, %add3A_199 : i32
        %dma_start3A_201 = arith.constant 0 : i32
        %dma_start3A_202 = arith.constant 0 : i32
        %dma_start3A_203 = arith.constant 0 : i32
        %dma_start3A_204 = arith.constant 0 : i32
        %dma_start3A_205 = tpu.memref_slice %arg7[%dma_start3A_201, %dma_start3A_202, %dma_start3A_203, %dma_start3A_204] : memref<2x2x200x64xf32, #tpu.memory_space<vmem>> -> memref<1x1x128x64xf32, #tpu.memory_space<vmem>>
        %dma_start3A_206 = tpu.memref_squeeze %dma_start3A_205 : memref<1x1x128x64xf32, #tpu.memory_space<vmem>> -> memref<128x64xf32, #tpu.memory_space<vmem>>
        %dma_start3A_207 = arith.constant 0 : i32
        %dma_start3A_208 = tpu.memref_slice %arg6[%add3A_200, %dma_start3A_207] : memref<128x200xi32, #tpu.memory_space<vmem>> -> memref<1x128xi32, #tpu.memory_space<vmem>>
        %dma_start3A_209 = tpu.memref_squeeze %dma_start3A_208 : memref<1x128xi32, #tpu.memory_space<vmem>> -> memref<128xi32, #tpu.memory_space<vmem>>
        %dma_start3A_210 = arith.constant 0 : i32
        %dma_start3A_211 = arith.constant 0 : i32
        %dma_start3A_212 = tpu.memref_slice %arg3[%dma_start3A_210, %dma_start3A_211] : memref<1000000x64xf32, #tpu.memory_space<hbm>> -> memref<1000000x64xf32, #tpu.memory_space<hbm>>
        tpu.enqueue_indirect_dma source(%dma_start3A_212 : memref<1000000x64xf32, #tpu.memory_space<hbm>>) target(%dma_start3A_206 : memref<128x64xf32, #tpu.memory_space<vmem>>) offsets(%dma_start3A_209 : memref<128xi32, #tpu.memory_space<vmem>>) semaphore(%arg9 : memref<!tpu.dma_semaphore, #tpu.memory_space<semaphore_mem>>)
        %mul3A_213 = arith.constant 2 : i32
        %mul3A_214 = arith.muli %add3A_196, %mul3A_213 : i32
        %add3A_215 = arith.constant 0 : i32
        %add3A_216 = arith.addi %mul3A_214, %add3A_215 : i32
        %dma_start3A_217 = arith.constant 0 : i32
        %dma_start3A_218 = arith.constant 0 : i32
        %dma_start3A_219 = arith.constant 128 : i32
        %dma_start3A_220 = arith.constant 0 : i32
        %dma_start3A_221 = tpu.memref_slice %arg7[%dma_start3A_217, %dma_start3A_218, %dma_start3A_219, %dma_start3A_220] : memref<2x2x200x64xf32, #tpu.memory_space<vmem>> -> memref<1x1x72x64xf32, #tpu.memory_space<vmem>>
        %dma_start3A_222 = tpu.memref_squeeze %dma_start3A_221 : memref<1x1x72x64xf32, #tpu.memory_space<vmem>> -> memref<72x64xf32, #tpu.memory_space<vmem>>
        %dma_start3A_223 = arith.constant 128 : i32
        %dma_start3A_224 = tpu.memref_slice %arg6[%add3A_216, %dma_start3A_223] : memref<128x200xi32, #tpu.memory_space<vmem>> -> memref<1x72xi32, #tpu.memory_space<vmem>>
        %dma_start3A_225 = tpu.memref_squeeze %dma_start3A_224 : memref<1x72xi32, #tpu.memory_space<vmem>> -> memref<72xi32, #tpu.memory_space<vmem>>
        %dma_start3A_226 = arith.constant 0 : i32
        %dma_start3A_227 = arith.constant 0 : i32
        %dma_start3A_228 = tpu.memref_slice %arg3[%dma_start3A_226, %dma_start3A_227] : memref<1000000x64xf32, #tpu.memory_space<hbm>> -> memref<1000000x64xf32, #tpu.memory_space<hbm>>
        tpu.enqueue_indirect_dma source(%dma_start3A_228 : memref<1000000x64xf32, #tpu.memory_space<hbm>>) target(%dma_start3A_222 : memref<72x64xf32, #tpu.memory_space<vmem>>) offsets(%dma_start3A_225 : memref<72xi32, #tpu.memory_space<vmem>>) semaphore(%arg9 : memref<!tpu.dma_semaphore, #tpu.memory_space<semaphore_mem>>)
        %mul3A_229 = arith.constant 2 : i32
        %mul3A_230 = arith.muli %add3A_196, %mul3A_229 : i32
        %add3A_231 = arith.constant 1 : i32
        %add3A_232 = arith.addi %mul3A_230, %add3A_231 : i32
        %dma_start3A_233 = arith.constant 0 : i32
        %dma_start3A_234 = arith.constant 1 : i32
        %dma_start3A_235 = arith.constant 0 : i32
        %dma_start3A_236 = arith.constant 0 : i32
        %dma_start3A_237 = tpu.memref_slice %arg7[%dma_start3A_233, %dma_start3A_234, %dma_start3A_235, %dma_start3A_236] : memref<2x2x200x64xf32, #tpu.memory_space<vmem>> -> memref<1x1x128x64xf32, #tpu.memory_space<vmem>>
        %dma_start3A_238 = tpu.memref_squeeze %dma_start3A_237 : memref<1x1x128x64xf32, #tpu.memory_space<vmem>> -> memref<128x64xf32, #tpu.memory_space<vmem>>
        %dma_start3A_239 = arith.constant 0 : i32
        %dma_start3A_240 = tpu.memref_slice %arg6[%add3A_232, %dma_start3A_239] : memref<128x200xi32, #tpu.memory_space<vmem>> -> memref<1x128xi32, #tpu.memory_space<vmem>>
        %dma_start3A_241 = tpu.memref_squeeze %dma_start3A_240 : memref<1x128xi32, #tpu.memory_space<vmem>> -> memref<128xi32, #tpu.memory_space<vmem>>
        %dma_start3A_242 = arith.constant 0 : i32
        %dma_start3A_243 = arith.constant 0 : i32
        %dma_start3A_244 = tpu.memref_slice %arg3[%dma_start3A_242, %dma_start3A_243] : memref<1000000x64xf32, #tpu.memory_space<hbm>> -> memref<1000000x64xf32, #tpu.memory_space<hbm>>
        tpu.enqueue_indirect_dma source(%dma_start3A_244 : memref<1000000x64xf32, #tpu.memory_space<hbm>>) target(%dma_start3A_238 : memref<128x64xf32, #tpu.memory_space<vmem>>) offsets(%dma_start3A_241 : memref<128xi32, #tpu.memory_space<vmem>>) semaphore(%arg9 : memref<!tpu.dma_semaphore, #tpu.memory_space<semaphore_mem>>)
        %mul3A_245 = arith.constant 2 : i32
        %mul3A_246 = arith.muli %add3A_196, %mul3A_245 : i32
        %add3A_247 = arith.constant 1 : i32
        %add3A_248 = arith.addi %mul3A_246, %add3A_247 : i32
        %dma_start3A_249 = arith.constant 0 : i32
        %dma_start3A_250 = arith.constant 1 : i32
        %dma_start3A_251 = arith.constant 128 : i32
        %dma_start3A_252 = arith.constant 0 : i32
        %dma_start3A_253 = tpu.memref_slice %arg7[%dma_start3A_249, %dma_start3A_250, %dma_start3A_251, %dma_start3A_252] : memref<2x2x200x64xf32, #tpu.memory_space<vmem>> -> memref<1x1x72x64xf32, #tpu.memory_space<vmem>>
        %dma_start3A_254 = tpu.memref_squeeze %dma_start3A_253 : memref<1x1x72x64xf32, #tpu.memory_space<vmem>> -> memref<72x64xf32, #tpu.memory_space<vmem>>
        %dma_start3A_255 = arith.constant 128 : i32
        %dma_start3A_256 = tpu.memref_slice %arg6[%add3A_248, %dma_start3A_255] : memref<128x200xi32, #tpu.memory_space<vmem>> -> memref<1x72xi32, #tpu.memory_space<vmem>>
        %dma_start3A_257 = tpu.memref_squeeze %dma_start3A_256 : memref<1x72xi32, #tpu.memory_space<vmem>> -> memref<72xi32, #tpu.memory_space<vmem>>
        %dma_start3A_258 = arith.constant 0 : i32
        %dma_start3A_259 = arith.constant 0 : i32
        %dma_start3A_260 = tpu.memref_slice %arg3[%dma_start3A_258, %dma_start3A_259] : memref<1000000x64xf32, #tpu.memory_space<hbm>> -> memref<1000000x64xf32, #tpu.memory_space<hbm>>
        tpu.enqueue_indirect_dma source(%dma_start3A_260 : memref<1000000x64xf32, #tpu.memory_space<hbm>>) target(%dma_start3A_254 : memref<72x64xf32, #tpu.memory_space<vmem>>) offsets(%dma_start3A_257 : memref<72xi32, #tpu.memory_space<vmem>>) semaphore(%arg9 : memref<!tpu.dma_semaphore, #tpu.memory_space<semaphore_mem>>)
      } else {
      }
      %dma_wait3A_151 = arith.constant 1 : i32
      %dma_wait3A_152 = arith.constant 0 : i32
      %dma_wait3A_153 = arith.constant 0 : i32
      %dma_wait3A_154 = arith.constant 0 : i32
      %dma_wait3A_155 = tpu.memref_slice %arg7[%dma_wait3A_151, %dma_wait3A_152, %dma_wait3A_153, %dma_wait3A_154] : memref<2x2x200x64xf32, #tpu.memory_space<vmem>> -> memref<1x2x200x64xf32, #tpu.memory_space<vmem>>
      %dma_wait3A_156 = tpu.memref_squeeze %dma_wait3A_155 : memref<1x2x200x64xf32, #tpu.memory_space<vmem>> -> memref<2x200x64xf32, #tpu.memory_space<vmem>>
      %dma_wait3A_157 = arith.constant 0 : i32
      %dma_wait3A_158 = arith.constant 0 : i32
      %dma_wait3A_159 = arith.constant 0 : i32
      %dma_wait3A_160 = tpu.memref_slice %arg5[%dma_wait3A_157, %dma_wait3A_158, %dma_wait3A_159] : memref<4096x200x64xf32, #tpu.memory_space<hbm>> -> memref<2x200x64xf32, #tpu.memory_space<hbm>>
      %dma_wait3A_161 = arith.constant 0 : i32
      %dma_wait3A_162 = arith.constant 0 : i32
      %dma_wait3A_163 = arith.constant 0 : i32
      %dma_wait3A_164 = tpu.memref_slice %arg7[%dma_wait3A_151, %dma_wait3A_161, %dma_wait3A_162, %dma_wait3A_163] : memref<2x2x200x64xf32, #tpu.memory_space<vmem>> -> memref<1x2x200x64xf32, #tpu.memory_space<vmem>>
      %dma_wait3A_165 = tpu.memref_squeeze %dma_wait3A_164 : memref<1x2x200x64xf32, #tpu.memory_space<vmem>> -> memref<2x200x64xf32, #tpu.memory_space<vmem>>
      %dma_wait3A_166 = arith.constant 0 : i32
      %dma_wait3A_167 = arith.constant 0 : i32
      %dma_wait3A_168 = arith.constant 0 : i32
      %dma_wait3A_169 = tpu.memref_slice %arg5[%dma_wait3A_166, %dma_wait3A_167, %dma_wait3A_168] : memref<4096x200x64xf32, #tpu.memory_space<hbm>> -> memref<2x200x64xf32, #tpu.memory_space<hbm>>
      tpu.wait_dma2 semaphore(%arg10 : memref<!tpu.dma_semaphore, #tpu.memory_space<semaphore_mem>>) src(%dma_wait3A_169 : memref<2x200x64xf32, #tpu.memory_space<hbm>>) dst(%dma_wait3A_165 : memref<2x200x64xf32, #tpu.memory_space<vmem>>)
      %scan3A_170 = arith.constant 0 : i32
      %scan3A_171 = arith.constant 200 : i32
      %scan3A_172 = arith.addi %scan3A_170, %scan3A_171 : i32
      %scan3A_173 = arith.constant 2 : i32
      scf.for %scan3A_195 = %scan3A_170 to %scan3A_172 step %scan3A_173  : i32 {
        %mul3A_196 = arith.constant 1 : i32
        %mul3A_197 = arith.muli %scan3A_195, %mul3A_196 : i32
        %add3A_198 = arith.constant 0 : i32
        %add3A_199 = arith.addi %add3A_198, %mul3A_197 : i32
        %get3A = arith.index_cast %add3A_199 : i32 to index
        %get3A_200 = arith.constant 0 : index
        %get3A_201 = tpu.vector_load %arg8[%get3A, %get3A_200] {strides = array<i32>} : memref<200x64xf32, #tpu.memory_space<vmem>>, vector<1x16xf32>,
        %get3A_202 = vector.shape_cast %get3A_201 : vector<1x16xf32> to vector<16xf32>
        %swap3A = arith.constant 1 : i32
        %swap3A_203 = arith.constant 0 : i32
        %swap3A_204 = arith.index_cast %swap3A : i32 to index
        %swap3A_205 = arith.index_cast %swap3A_203 : i32 to index
        %swap3A_206 = arith.index_cast %add3A_199 : i32 to index
        %swap3A_207 = arith.constant 0 : index
        %swap3A_208 = tpu.vector_load %arg7[%swap3A_204, %swap3A_205, %swap3A_206, %swap3A_207] {strides = array<i32>} : memref<2x2x200x64xf32, #tpu.memory_space<vmem>>, vector<1x1x1x16xf32>,
        %swap3A_209 = vector.shape_cast %swap3A_208 : vector<1x1x1x16xf32> to vector<16xf32>
        %swap3A_210 = vector.shape_cast %get3A_202 : vector<16xf32> to vector<1x1x1x16xf32>
        tpu.vector_store %arg7[%swap3A_204, %swap3A_205, %swap3A_206, %swap3A_207], %swap3A_210 {add = true, strides = array<i32>} : memref<2x2x200x64xf32, #tpu.memory_space<vmem>>, vector<1x1x1x16xf32>,
        %swap3A_211 = arith.constant 1 : i32
        %swap3A_212 = arith.constant 1 : i32
        %swap3A_213 = arith.index_cast %swap3A_211 : i32 to index
        %swap3A_214 = arith.index_cast %swap3A_212 : i32 to index
        %swap3A_215 = arith.index_cast %add3A_199 : i32 to index
        %swap3A_216 = arith.constant 0 : index
        %swap3A_217 = tpu.vector_load %arg7[%swap3A_213, %swap3A_214, %swap3A_215, %swap3A_216] {strides = array<i32>} : memref<2x2x200x64xf32, #tpu.memory_space<vmem>>, vector<1x1x1x16xf32>,
        %swap3A_218 = vector.shape_cast %swap3A_217 : vector<1x1x1x16xf32> to vector<16xf32>
        %swap3A_219 = vector.shape_cast %get3A_202 : vector<16xf32> to vector<1x1x1x16xf32>
        tpu.vector_store %arg7[%swap3A_213, %swap3A_214, %swap3A_215, %swap3A_216], %swap3A_219 {add = true, strides = array<i32>} : memref<2x2x200x64xf32, #tpu.memory_space<vmem>>, vector<1x1x1x16xf32>,
        %get3A_220 = arith.index_cast %add3A_199 : i32 to index
        %get3A_221 = arith.constant 16 : index
        %get3A_222 = tpu.vector_load %arg8[%get3A_220, %get3A_221] {strides = array<i32>} : memref<200x64xf32, #tpu.memory_space<vmem>>, vector<1x16xf32>,
        %get3A_223 = vector.shape_cast %get3A_222 : vector<1x16xf32> to vector<16xf32>
        %swap3A_224 = arith.constant 1 : i32
        %swap3A_225 = arith.constant 0 : i32
        %swap3A_226 = arith.index_cast %swap3A_224 : i32 to index
        %swap3A_227 = arith.index_cast %swap3A_225 : i32 to index
        %swap3A_228 = arith.index_cast %add3A_199 : i32 to index
        %swap3A_229 = arith.constant 16 : index
        %swap3A_230 = tpu.vector_load %arg7[%swap3A_226, %swap3A_227, %swap3A_228, %swap3A_229] {strides = array<i32>} : memref<2x2x200x64xf32, #tpu.memory_space<vmem>>, vector<1x1x1x16xf32>,
        %swap3A_231 = vector.shape_cast %swap3A_230 : vector<1x1x1x16xf32> to vector<16xf32>
        %swap3A_232 = vector.shape_cast %get3A_223 : vector<16xf32> to vector<1x1x1x16xf32>
        tpu.vector_store %arg7[%swap3A_226, %swap3A_227, %swap3A_228, %swap3A_229], %swap3A_232 {add = true, strides = array<i32>} : memref<2x2x200x64xf32, #tpu.memory_space<vmem>>, vector<1x1x1x16xf32>,
        %swap3A_233 = arith.constant 1 : i32
        %swap3A_234 = arith.constant 1 : i32
        %swap3A_235 = arith.index_cast %swap3A_233 : i32 to index
        %swap3A_236 = arith.index_cast %swap3A_234 : i32 to index
        %swap3A_237 = arith.index_cast %add3A_199 : i32 to index
        %swap3A_238 = arith.constant 16 : index
        %swap3A_239 = tpu.vector_load %arg7[%swap3A_235, %swap3A_236, %swap3A_237, %swap3A_238] {strides = array<i32>} : memref<2x2x200x64xf32, #tpu.memory_space<vmem>>, vector<1x1x1x16xf32>,
        %swap3A_240 = vector.shape_cast %swap3A_239 : vector<1x1x1x16xf32> to vector<16xf32>
        %swap3A_241 = vector.shape_cast %get3A_223 : vector<16xf32> to vector<1x1x1x16xf32>
        tpu.vector_store %arg7[%swap3A_235, %swap3A_236, %swap3A_237, %swap3A_238], %swap3A_241 {add = true, strides = array<i32>} : memref<2x2x200x64xf32, #tpu.memory_space<vmem>>, vector<1x1x1x16xf32>,
        %get3A_242 = arith.index_cast %add3A_199 : i32 to index
        %get3A_243 = arith.constant 32 : index
        %get3A_244 = tpu.vector_load %arg8[%get3A_242, %get3A_243] {strides = array<i32>} : memref<200x64xf32, #tpu.memory_space<vmem>>, vector<1x16xf32>,
        %get3A_245 = vector.shape_cast %get3A_244 : vector<1x16xf32> to vector<16xf32>
        %swap3A_246 = arith.constant 1 : i32
        %swap3A_247 = arith.constant 0 : i32
        %swap3A_248 = arith.index_cast %swap3A_246 : i32 to index
        %swap3A_249 = arith.index_cast %swap3A_247 : i32 to index
        %swap3A_250 = arith.index_cast %add3A_199 : i32 to index
        %swap3A_251 = arith.constant 32 : index
        %swap3A_252 = tpu.vector_load %arg7[%swap3A_248, %swap3A_249, %swap3A_250, %swap3A_251] {strides = array<i32>} : memref<2x2x200x64xf32, #tpu.memory_space<vmem>>, vector<1x1x1x16xf32>,
        %swap3A_253 = vector.shape_cast %swap3A_252 : vector<1x1x1x16xf32> to vector<16xf32>
        %swap3A_254 = vector.shape_cast %get3A_245 : vector<16xf32> to vector<1x1x1x16xf32>
        tpu.vector_store %arg7[%swap3A_248, %swap3A_249, %swap3A_250, %swap3A_251], %swap3A_254 {add = true, strides = array<i32>} : memref<2x2x200x64xf32, #tpu.memory_space<vmem>>, vector<1x1x1x16xf32>,
        %swap3A_255 = arith.constant 1 : i32
        %swap3A_256 = arith.constant 1 : i32
        %swap3A_257 = arith.index_cast %swap3A_255 : i32 to index
        %swap3A_258 = arith.index_cast %swap3A_256 : i32 to index
        %swap3A_259 = arith.index_cast %add3A_199 : i32 to index
        %swap3A_260 = arith.constant 32 : index
        %swap3A_261 = tpu.vector_load %arg7[%swap3A_257, %swap3A_258, %swap3A_259, %swap3A_260] {strides = array<i32>} : memref<2x2x200x64xf32, #tpu.memory_space<vmem>>, vector<1x1x1x16xf32>,
        %swap3A_262 = vector.shape_cast %swap3A_261 : vector<1x1x1x16xf32> to vector<16xf32>
        %swap3A_263 = vector.shape_cast %get3A_245 : vector<16xf32> to vector<1x1x1x16xf32>
        tpu.vector_store %arg7[%swap3A_257, %swap3A_258, %swap3A_259, %swap3A_260], %swap3A_263 {add = true, strides = array<i32>} : memref<2x2x200x64xf32, #tpu.memory_space<vmem>>, vector<1x1x1x16xf32>,
        %get3A_264 = arith.index_cast %add3A_199 : i32 to index
        %get3A_265 = arith.constant 48 : index
        %get3A_266 = tpu.vector_load %arg8[%get3A_264, %get3A_265] {strides = array<i32>} : memref<200x64xf32, #tpu.memory_space<vmem>>, vector<1x16xf32>,
        %get3A_267 = vector.shape_cast %get3A_266 : vector<1x16xf32> to vector<16xf32>
        %swap3A_268 = arith.constant 1 : i32
        %swap3A_269 = arith.constant 0 : i32
        %swap3A_270 = arith.index_cast %swap3A_268 : i32 to index
        %swap3A_271 = arith.index_cast %swap3A_269 : i32 to index
        %swap3A_272 = arith.index_cast %add3A_199 : i32 to index
        %swap3A_273 = arith.constant 48 : index
        %swap3A_274 = tpu.vector_load %arg7[%swap3A_270, %swap3A_271, %swap3A_272, %swap3A_273] {strides = array<i32>} : memref<2x2x200x64xf32, #tpu.memory_space<vmem>>, vector<1x1x1x16xf32>,
        %swap3A_275 = vector.shape_cast %swap3A_274 : vector<1x1x1x16xf32> to vector<16xf32>
        %swap3A_276 = vector.shape_cast %get3A_267 : vector<16xf32> to vector<1x1x1x16xf32>
        tpu.vector_store %arg7[%swap3A_270, %swap3A_271, %swap3A_272, %swap3A_273], %swap3A_276 {add = true, strides = array<i32>} : memref<2x2x200x64xf32, #tpu.memory_space<vmem>>, vector<1x1x1x16xf32>,
        %swap3A_277 = arith.constant 1 : i32
        %swap3A_278 = arith.constant 1 : i32
        %swap3A_279 = arith.index_cast %swap3A_277 : i32 to index
        %swap3A_280 = arith.index_cast %swap3A_278 : i32 to index
        %swap3A_281 = arith.index_cast %add3A_199 : i32 to index
        %swap3A_282 = arith.constant 48 : index
        %swap3A_283 = tpu.vector_load %arg7[%swap3A_279, %swap3A_280, %swap3A_281, %swap3A_282] {strides = array<i32>} : memref<2x2x200x64xf32, #tpu.memory_space<vmem>>, vector<1x1x1x16xf32>,
        %swap3A_284 = vector.shape_cast %swap3A_283 : vector<1x1x1x16xf32> to vector<16xf32>
        %swap3A_285 = vector.shape_cast %get3A_267 : vector<16xf32> to vector<1x1x1x16xf32>
        tpu.vector_store %arg7[%swap3A_279, %swap3A_280, %swap3A_281, %swap3A_282], %swap3A_285 {add = true, strides = array<i32>} : memref<2x2x200x64xf32, #tpu.memory_space<vmem>>, vector<1x1x1x16xf32>,
        %scan3A_286 = arith.constant 1 : i32
        %scan3A_287 = arith.addi %scan3A_195, %scan3A_286 : i32
        %mul3A_288 = arith.constant 1 : i32
        %mul3A_289 = arith.muli %scan3A_287, %mul3A_288 : i32
        %add3A_290 = arith.constant 0 : i32
        %add3A_291 = arith.addi %add3A_290, %mul3A_289 : i32
        %get3A_292 = arith.index_cast %add3A_291 : i32 to index
        %get3A_293 = arith.constant 0 : index
        %get3A_294 = tpu.vector_load %arg8[%get3A_292, %get3A_293] {strides = array<i32>} : memref<200x64xf32, #tpu.memory_space<vmem>>, vector<1x16xf32>,
        %get3A_295 = vector.shape_cast %get3A_294 : vector<1x16xf32> to vector<16xf32>
        %swap3A_296 = arith.constant 1 : i32
        %swap3A_297 = arith.constant 0 : i32
        %swap3A_298 = arith.index_cast %swap3A_296 : i32 to index
        %swap3A_299 = arith.index_cast %swap3A_297 : i32 to index
        %swap3A_300 = arith.index_cast %add3A_291 : i32 to index
        %swap3A_301 = arith.constant 0 : index
        %swap3A_302 = tpu.vector_load %arg7[%swap3A_298, %swap3A_299, %swap3A_300, %swap3A_301] {strides = array<i32>} : memref<2x2x200x64xf32, #tpu.memory_space<vmem>>, vector<1x1x1x16xf32>,
        %swap3A_303 = vector.shape_cast %swap3A_302 : vector<1x1x1x16xf32> to vector<16xf32>
        %swap3A_304 = vector.shape_cast %get3A_295 : vector<16xf32> to vector<1x1x1x16xf32>
        tpu.vector_store %arg7[%swap3A_298, %swap3A_299, %swap3A_300, %swap3A_301], %swap3A_304 {add = true, strides = array<i32>} : memref<2x2x200x64xf32, #tpu.memory_space<vmem>>, vector<1x1x1x16xf32>,
        %swap3A_305 = arith.constant 1 : i32
        %swap3A_306 = arith.constant 1 : i32
        %swap3A_307 = arith.index_cast %swap3A_305 : i32 to index
        %swap3A_308 = arith.index_cast %swap3A_306 : i32 to index
        %swap3A_309 = arith.index_cast %add3A_291 : i32 to index
        %swap3A_310 = arith.constant 0 : index
        %swap3A_311 = tpu.vector_load %arg7[%swap3A_307, %swap3A_308, %swap3A_309, %swap3A_310] {strides = array<i32>} : memref<2x2x200x64xf32, #tpu.memory_space<vmem>>, vector<1x1x1x16xf32>,
        %swap3A_312 = vector.shape_cast %swap3A_311 : vector<1x1x1x16xf32> to vector<16xf32>
        %swap3A_313 = vector.shape_cast %get3A_295 : vector<16xf32> to vector<1x1x1x16xf32>
        tpu.vector_store %arg7[%swap3A_307, %swap3A_308, %swap3A_309, %swap3A_310], %swap3A_313 {add = true, strides = array<i32>} : memref<2x2x200x64xf32, #tpu.memory_space<vmem>>, vector<1x1x1x16xf32>,
        %get3A_314 = arith.index_cast %add3A_291 : i32 to index
        %get3A_315 = arith.constant 16 : index
        %get3A_316 = tpu.vector_load %arg8[%get3A_314, %get3A_315] {strides = array<i32>} : memref<200x64xf32, #tpu.memory_space<vmem>>, vector<1x16xf32>,
        %get3A_317 = vector.shape_cast %get3A_316 : vector<1x16xf32> to vector<16xf32>
        %swap3A_318 = arith.constant 1 : i32
        %swap3A_319 = arith.constant 0 : i32
        %swap3A_320 = arith.index_cast %swap3A_318 : i32 to index
        %swap3A_321 = arith.index_cast %swap3A_319 : i32 to index
        %swap3A_322 = arith.index_cast %add3A_291 : i32 to index
        %swap3A_323 = arith.constant 16 : index
        %swap3A_324 = tpu.vector_load %arg7[%swap3A_320, %swap3A_321, %swap3A_322, %swap3A_323] {strides = array<i32>} : memref<2x2x200x64xf32, #tpu.memory_space<vmem>>, vector<1x1x1x16xf32>,
        %swap3A_325 = vector.shape_cast %swap3A_324 : vector<1x1x1x16xf32> to vector<16xf32>
        %swap3A_326 = vector.shape_cast %get3A_317 : vector<16xf32> to vector<1x1x1x16xf32>
        tpu.vector_store %arg7[%swap3A_320, %swap3A_321, %swap3A_322, %swap3A_323], %swap3A_326 {add = true, strides = array<i32>} : memref<2x2x200x64xf32, #tpu.memory_space<vmem>>, vector<1x1x1x16xf32>,
        %swap3A_327 = arith.constant 1 : i32
        %swap3A_328 = arith.constant 1 : i32
        %swap3A_329 = arith.index_cast %swap3A_327 : i32 to index
        %swap3A_330 = arith.index_cast %swap3A_328 : i32 to index
        %swap3A_331 = arith.index_cast %add3A_291 : i32 to index
        %swap3A_332 = arith.constant 16 : index
        %swap3A_333 = tpu.vector_load %arg7[%swap3A_329, %swap3A_330, %swap3A_331, %swap3A_332] {strides = array<i32>} : memref<2x2x200x64xf32, #tpu.memory_space<vmem>>, vector<1x1x1x16xf32>,
        %swap3A_334 = vector.shape_cast %swap3A_333 : vector<1x1x1x16xf32> to vector<16xf32>
        %swap3A_335 = vector.shape_cast %get3A_317 : vector<16xf32> to vector<1x1x1x16xf32>
        tpu.vector_store %arg7[%swap3A_329, %swap3A_330, %swap3A_331, %swap3A_332], %swap3A_335 {add = true, strides = array<i32>} : memref<2x2x200x64xf32, #tpu.memory_space<vmem>>, vector<1x1x1x16xf32>,
        %get3A_336 = arith.index_cast %add3A_291 : i32 to index
        %get3A_337 = arith.constant 32 : index
        %get3A_338 = tpu.vector_load %arg8[%get3A_336, %get3A_337] {strides = array<i32>} : memref<200x64xf32, #tpu.memory_space<vmem>>, vector<1x16xf32>,
        %get3A_339 = vector.shape_cast %get3A_338 : vector<1x16xf32> to vector<16xf32>
        %swap3A_340 = arith.constant 1 : i32
        %swap3A_341 = arith.constant 0 : i32
        %swap3A_342 = arith.index_cast %swap3A_340 : i32 to index
        %swap3A_343 = arith.index_cast %swap3A_341 : i32 to index
        %swap3A_344 = arith.index_cast %add3A_291 : i32 to index
        %swap3A_345 = arith.constant 32 : index
        %swap3A_346 = tpu.vector_load %arg7[%swap3A_342, %swap3A_343, %swap3A_344, %swap3A_345] {strides = array<i32>} : memref<2x2x200x64xf32, #tpu.memory_space<vmem>>, vector<1x1x1x16xf32>,
        %swap3A_347 = vector.shape_cast %swap3A_346 : vector<1x1x1x16xf32> to vector<16xf32>
        %swap3A_348 = vector.shape_cast %get3A_339 : vector<16xf32> to vector<1x1x1x16xf32>
        tpu.vector_store %arg7[%swap3A_342, %swap3A_343, %swap3A_344, %swap3A_345], %swap3A_348 {add = true, strides = array<i32>} : memref<2x2x200x64xf32, #tpu.memory_space<vmem>>, vector<1x1x1x16xf32>,
        %swap3A_349 = arith.constant 1 : i32
        %swap3A_350 = arith.constant 1 : i32
        %swap3A_351 = arith.index_cast %swap3A_349 : i32 to index
        %swap3A_352 = arith.index_cast %swap3A_350 : i32 to index
        %swap3A_353 = arith.index_cast %add3A_291 : i32 to index
        %swap3A_354 = arith.constant 32 : index
        %swap3A_355 = tpu.vector_load %arg7[%swap3A_351, %swap3A_352, %swap3A_353, %swap3A_354] {strides = array<i32>} : memref<2x2x200x64xf32, #tpu.memory_space<vmem>>, vector<1x1x1x16xf32>,
        %swap3A_356 = vector.shape_cast %swap3A_355 : vector<1x1x1x16xf32> to vector<16xf32>
        %swap3A_357 = vector.shape_cast %get3A_339 : vector<16xf32> to vector<1x1x1x16xf32>
        tpu.vector_store %arg7[%swap3A_351, %swap3A_352, %swap3A_353, %swap3A_354], %swap3A_357 {add = true, strides = array<i32>} : memref<2x2x200x64xf32, #tpu.memory_space<vmem>>, vector<1x1x1x16xf32>,
        %get3A_358 = arith.index_cast %add3A_291 : i32 to index
        %get3A_359 = arith.constant 48 : index
        %get3A_360 = tpu.vector_load %arg8[%get3A_358, %get3A_359] {strides = array<i32>} : memref<200x64xf32, #tpu.memory_space<vmem>>, vector<1x16xf32>,
        %get3A_361 = vector.shape_cast %get3A_360 : vector<1x16xf32> to vector<16xf32>
        %swap3A_362 = arith.constant 1 : i32
        %swap3A_363 = arith.constant 0 : i32
        %swap3A_364 = arith.index_cast %swap3A_362 : i32 to index
        %swap3A_365 = arith.index_cast %swap3A_363 : i32 to index
        %swap3A_366 = arith.index_cast %add3A_291 : i32 to index
        %swap3A_367 = arith.constant 48 : index
        %swap3A_368 = tpu.vector_load %arg7[%swap3A_364, %swap3A_365, %swap3A_366, %swap3A_367] {strides = array<i32>} : memref<2x2x200x64xf32, #tpu.memory_space<vmem>>, vector<1x1x1x16xf32>,
        %swap3A_369 = vector.shape_cast %swap3A_368 : vector<1x1x1x16xf32> to vector<16xf32>
        %swap3A_370 = vector.shape_cast %get3A_361 : vector<16xf32> to vector<1x1x1x16xf32>
        tpu.vector_store %arg7[%swap3A_364, %swap3A_365, %swap3A_366, %swap3A_367], %swap3A_370 {add = true, strides = array<i32>} : memref<2x2x200x64xf32, #tpu.memory_space<vmem>>, vector<1x1x1x16xf32>,
        %swap3A_371 = arith.constant 1 : i32
        %swap3A_372 = arith.constant 1 : i32
        %swap3A_373 = arith.index_cast %swap3A_371 : i32 to index
        %swap3A_374 = arith.index_cast %swap3A_372 : i32 to index
        %swap3A_375 = arith.index_cast %add3A_291 : i32 to index
        %swap3A_376 = arith.constant 48 : index
        %swap3A_377 = tpu.vector_load %arg7[%swap3A_373, %swap3A_374, %swap3A_375, %swap3A_376] {strides = array<i32>} : memref<2x2x200x64xf32, #tpu.memory_space<vmem>>, vector<1x1x1x16xf32>,
        %swap3A_378 = vector.shape_cast %swap3A_377 : vector<1x1x1x16xf32> to vector<16xf32>
        %swap3A_379 = vector.shape_cast %get3A_361 : vector<16xf32> to vector<1x1x1x16xf32>
        tpu.vector_store %arg7[%swap3A_373, %swap3A_374, %swap3A_375, %swap3A_376], %swap3A_379 {add = true, strides = array<i32>} : memref<2x2x200x64xf32, #tpu.memory_space<vmem>>, vector<1x1x1x16xf32>,
      }
      %scan3A_174 = arith.constant 200 : i32
      %mul3A_175 = arith.constant 2 : i32
      %mul3A_176 = arith.muli %add3A_138, %mul3A_175 : i32
      %add3A_177 = arith.addi %mul3A_2, %mul3A_176 : i32
      %dma_start3A_178 = arith.constant 1 : i32
      %dma_start3A_179 = arith.constant 0 : i32
      %dma_start3A_180 = arith.constant 0 : i32
      %dma_start3A_181 = arith.constant 0 : i32
      %dma_start3A_182 = tpu.memref_slice %arg7[%dma_start3A_178, %dma_start3A_179, %dma_start3A_180, %dma_start3A_181] : memref<2x2x200x64xf32, #tpu.memory_space<vmem>> -> memref<1x2x200x64xf32, #tpu.memory_space<vmem>>
      %dma_start3A_183 = tpu.memref_squeeze %dma_start3A_182 : memref<1x2x200x64xf32, #tpu.memory_space<vmem>> -> memref<2x200x64xf32, #tpu.memory_space<vmem>>
      %dma_start3A_184 = arith.constant 0 : i32
      %dma_start3A_185 = arith.constant 0 : i32
      %dma_start3A_186 = tpu.memref_slice %arg5[%add3A_177, %dma_start3A_184, %dma_start3A_185] : memref<4096x200x64xf32, #tpu.memory_space<hbm>> -> memref<2x200x64xf32, #tpu.memory_space<hbm>>
      %dma_start3A_187 = arith.constant 0 : i32
      %dma_start3A_188 = arith.constant 0 : i32
      %dma_start3A_189 = tpu.memref_slice %arg5[%add3A_177, %dma_start3A_187, %dma_start3A_188] : memref<4096x200x64xf32, #tpu.memory_space<hbm>> -> memref<2x200x64xf32, #tpu.memory_space<hbm>>
      %dma_start3A_190 = arith.constant 0 : i32
      %dma_start3A_191 = arith.constant 0 : i32
      %dma_start3A_192 = arith.constant 0 : i32
      %dma_start3A_193 = tpu.memref_slice %arg7[%dma_start3A_178, %dma_start3A_190, %dma_start3A_191, %dma_start3A_192] : memref<2x2x200x64xf32, #tpu.memory_space<vmem>> -> memref<1x2x200x64xf32, #tpu.memory_space<vmem>>
      %dma_start3A_194 = tpu.memref_squeeze %dma_start3A_193 : memref<1x2x200x64xf32, #tpu.memory_space<vmem>> -> memref<2x200x64xf32, #tpu.memory_space<vmem>>
      tpu.enqueue_dma source(%dma_start3A_194 : memref<2x200x64xf32, #tpu.memory_space<vmem>>) target(%dma_start3A_189 : memref<2x200x64xf32, #tpu.memory_space<hbm>>) target_semaphore(%arg12 : memref<!tpu.dma_semaphore, #tpu.memory_space<semaphore_mem>>)
    }
    %scan3A_57 = arith.constant 32 : i32
    %dma_wait3A = arith.constant 1 : i32
    %dma_wait3A_58 = arith.constant 0 : i32
    %dma_wait3A_59 = arith.constant 0 : i32
    %dma_wait3A_60 = arith.constant 0 : i32
    %dma_wait3A_61 = tpu.memref_slice %arg7[%dma_wait3A, %dma_wait3A_58, %dma_wait3A_59, %dma_wait3A_60] : memref<2x2x200x64xf32, #tpu.memory_space<vmem>> -> memref<1x2x200x64xf32, #tpu.memory_space<vmem>>
    %dma_wait3A_62 = tpu.memref_squeeze %dma_wait3A_61 : memref<1x2x200x64xf32, #tpu.memory_space<vmem>> -> memref<2x200x64xf32, #tpu.memory_space<vmem>>
    %dma_wait3A_63 = arith.constant 0 : i32
    %dma_wait3A_64 = arith.constant 0 : i32
    %dma_wait3A_65 = arith.constant 0 : i32
    %dma_wait3A_66 = tpu.memref_slice %arg5[%dma_wait3A_63, %dma_wait3A_64, %dma_wait3A_65] : memref<4096x200x64xf32, #tpu.memory_space<hbm>> -> memref<2x200x64xf32, #tpu.memory_space<hbm>>
    %dma_wait3A_67 = arith.constant 0 : i32
    %dma_wait3A_68 = arith.constant 0 : i32
    %dma_wait3A_69 = arith.constant 0 : i32
    %dma_wait3A_70 = tpu.memref_slice %arg5[%dma_wait3A_67, %dma_wait3A_68, %dma_wait3A_69] : memref<4096x200x64xf32, #tpu.memory_space<hbm>> -> memref<2x200x64xf32, #tpu.memory_space<hbm>>
    %dma_wait3A_71 = arith.constant 0 : i32
    %dma_wait3A_72 = arith.constant 0 : i32
    %dma_wait3A_73 = arith.constant 0 : i32
    %dma_wait3A_74 = tpu.memref_slice %arg7[%dma_wait3A, %dma_wait3A_71, %dma_wait3A_72, %dma_wait3A_73] : memref<2x2x200x64xf32, #tpu.memory_space<vmem>> -> memref<1x2x200x64xf32, #tpu.memory_space<vmem>>
    %dma_wait3A_75 = tpu.memref_squeeze %dma_wait3A_74 : memref<1x2x200x64xf32, #tpu.memory_space<vmem>> -> memref<2x200x64xf32, #tpu.memory_space<vmem>>
    tpu.wait_dma2 semaphore(%arg12 : memref<!tpu.dma_semaphore, #tpu.memory_space<semaphore_mem>>) src(%dma_wait3A_75 : memref<2x200x64xf32, #tpu.memory_space<vmem>>) dst(%dma_wait3A_70 : memref<2x200x64xf32, #tpu.memory_space<hbm>>)
    return
  }
}

</mosaic_0001>

<sc_bundles>
// kernel: _run.3.cloned.1.call-start
scs
__scs_entry_jumppad:
0x0: {  	(pc) =	sbr.rel $0x88, $3  }
0x1: {  	(tag) =	ssettag $0x0;
	lr =	simm.s32 $0x1  }
0x2: {  	[smem:$0x3F9E] =	sst lr;
	_ =	strace $0xD0000000  }
0x3: {  	_ = 	snop  }
0x4: {  	_ = 	snop  }
0x5: {  	_ = 	snop  }
0x6: {  	_ = 	snop  }
0x7: {  	_ = 	snop  }
__scs_overlays_trampoline_lowered:
0x8: {  	[smem:$0x3FAD] =	sst s0  }
0x9: {  	[smem:$0x3FAE] =	sst s1  }
0xa: {  	[smem:$0x3FAF] =	sst s2  }
0xb: {  	[smem:$0x3FB0] =	sst s3  }
0xc: {  	[smem:$0x3FB1] =	sst s4  }
0xd: {  	[smem:$0x3FB2] =	sst s5  }
0xe: {  	[smem:$0x3FB3] =	sst s6  }
0xf: {  	[smem:$0x3FB4] =	sst s7  }
0x10: {  	[smem:$0x3FB5] =	sst s8  }
0x11: {  	[smem:$0x3FB6] =	sst s9;
	s0 =	simm.s32 @!p0 $0x0  }
0x12: {  	s1 =	sld [smem:$0x3F9C];
	s0 =	simm.s32 @p0 $0x1  }
0x13: {  	[smem:$0x3FB7] =	sst s0;
	s0 =	simm.s32 @!p1 $0x0  }
0x14: {  	s2 =	sld [smem:$0x3F9B];
	s0 =	simm.s32 @p1 $0x1  }
0x15: {  	[smem:$0x3FB8] =	sst s0;
	s0 =	simm.s32 @!p2 $0x0  }
0x16: {  	s3 =	sld [smem:$0x3FDB];
	s0 =	simm.s32 @p2 $0x1  }
0x17: {  	s4 =	simm.s32 $0x1BF5;
	[smem:$0x3FBA] =	sst s0  }
0x18: {  	s0 =	sld [smem:$0x3F9D];
	_ =	swait.ge [sflag:s4], $0x0  }
0x19: {  	s7 =	sld [smem:$0x3F9E]  }
0x1a: {  	s8 =	sadd.s32 $0xFFFFE003, lr  }
0x1b: {  	s9 =	sadd.s32 $0xFFFFFEF7, lr;
	s5 =	simm.s32 $0xFFFFFFFF;
	p2 =	slt.u32 s8, $0xFFFFF086  }
0x1c: {  	p1 =	slt.u32 s9, $0xF7A;
	s5 =	simm.s32 @!p2 $0x0  }
0x1d: {  	s5 =	simm.s32 @p1 $0x1;
	p0 =	seq.s32 s7, s2  }
0x1e: {  	s7 =	smul.u32 @!p0 $0xF7A, s2;
	p2 =	seq.s32 @!p0 s5, $0x0  }
0x1f: {  	s9 =	smul.u32 $0xF7A, s1;
	s8 =	simm.s32 @!p0 $0x1BF5;
	p2 =	por !p2, p0  }
0x20: {  	[sflag:s8] =	ssyncset.s32 @!p0 $0xFFFFF086;
	s6 =	sadd.s32 @!p0 s3, s7;
	s7 =	simm.s32 @!p0 $0x108  }
0x21: {  	s3 =	sadd.s32 s3, s9;
	s6 =	sadd.s32 @!p0 $0x88, s6;
	s7 =	simm.s32 @p2 $0x1082  }
0x22: {  	[simem:s7], [sflag:s8] =	dma.local @!p0 [hbm:s6], $0xF7A  }
0x23: {  	s9 =	sor.u32 $0xD0000000, s2;
	s6 =	simm.s32 $0x108;
	_ =	swait.ge @!p0 [sflag:s8], $0x0  }
0x24: {  	s3 =	sadd.s32 $0x88, s3;
	s6 =	simm.s32 @!p1 $0x1082;
	[sflag:s4] =	ssyncset.s32 $0xFFFFF086  }
0x25: {  	[simem:s6], [sflag:s4] =	dma.local [hbm:s3], $0xF7A  }
0x26: {  	[smem:$0x3F9E] =	sst s1;
	(tag) =	ssettag s2;
	_ =	strace s9  }
0x27: {  	s1 =	sld [smem:$0x3FAE]  }
0x28: {  	s2 =	sld [smem:$0x3FAF]  }
0x29: {  	s4 =	sld [smem:$0x3FB1]  }
0x2a: {  	p0 =	seq.s32 s5, $0x0;
	s5 =	sld [smem:$0x3FB2]  }
0x2b: {  	s6 =	sld [smem:$0x3FB3]  }
0x2c: {  	s7 =	sld [smem:$0x3FB4]  }
0x2d: {  	s3 =	simm.s32 $0x108;
	s8 =	sld [smem:$0x3FB5]  }
0x2e: {  	s3 =	simm.s32 @!p0 $0x1082;
	s9 =	sld [smem:$0x3FB6]  }
0x2f: {  	lr =	sadd.s32 s0, s3;
	s0 =	sld [smem:$0x3FAD]  }
0x30: {  	s3 =	sld [smem:$0x3FB0]  }
0x31: {  	[smem:$0x3FB9] =	sst s10  }
0x32: {  	s10 =	sld [smem:$0x3FB7];
	_ =	sdelay $0x3  }
0x33: {  	p0 =	seq.s32 s10, $0x1;
	s10 =	sld [smem:$0x3FB9];
	_ =	sdelay $0x3  }
0x34: {  	[smem:$0x3FB9] =	sst s10  }
0x35: {  	s10 =	sld [smem:$0x3FB8];
	_ =	sdelay $0x3  }
0x36: {  	p1 =	seq.s32 s10, $0x1;
	s10 =	sld [smem:$0x3FB9];
	_ =	sdelay $0x3  }
0x37: {  	[smem:$0x3FB9] =	sst s10  }
0x38: {  	s10 =	sld [smem:$0x3FBA]  }
0x39: {  	_ = 	snop;
	(pc) =	sbr.ind lr, $3  }
0x3a: {  	_ = 	snop  }
0x3b: {  	_ = 	snop  }
0x3c: {  	p2 =	seq.s32 s10, $0x1;
	s10 =	sld [smem:$0x3FB9]  }
0x3d: {  	_ =	shalt  }
0x3e: {  	_ =	shalt  }
0x3f: {  	_ =	shalt  }
0x40: {  	_ =	shalt  }
0x41: {  	_ =	shalt  }
0x42: {  	_ =	shalt  }
0x43: {  	_ =	shalt  }
0x44: {  	_ =	shalt  }
0x45: {  	_ =	shalt  }
0x46: {  	_ =	shalt  }
0x47: {  	_ =	shalt  }
0x48: {  	_ =	shalt  }
0x49: {  	_ =	shalt  }
0x4a: {  	_ =	shalt  }
0x4b: {  	_ =	shalt  }
0x4c: {  	_ =	shalt  }
0x4d: {  	_ =	shalt  }
0x4e: {  	_ =	shalt  }
0x4f: {  	_ =	shalt  }
0x50: {  	_ =	shalt  }
0x51: {  	_ =	shalt  }
0x52: {  	_ =	shalt  }
0x53: {  	_ =	shalt  }
0x54: {  	_ =	shalt  }
0x55: {  	_ =	shalt  }
0x56: {  	_ =	shalt  }
0x57: {  	_ =	shalt  }
0x58: {  	_ =	shalt  }
0x59: {  	_ =	shalt  }
0x5a: {  	_ =	shalt  }
0x5b: {  	_ =	shalt  }
0x5c: {  	_ =	shalt  }
0x5d: {  	_ =	shalt  }
0x5e: {  	_ =	shalt  }
0x5f: {  	_ =	shalt  }
0x60: {  	_ =	shalt  }
0x61: {  	_ =	shalt  }
0x62: {  	_ =	shalt  }
0x63: {  	_ =	shalt  }
0x64: {  	_ =	shalt  }
0x65: {  	_ =	shalt  }
0x66: {  	_ =	shalt  }
0x67: {  	_ =	shalt  }
0x68: {  	_ =	shalt  }
0x69: {  	_ =	shalt  }
0x6a: {  	_ =	shalt  }
0x6b: {  	_ =	shalt  }
0x6c: {  	_ =	shalt  }
0x6d: {  	_ =	shalt  }
0x6e: {  	_ =	shalt  }
0x6f: {  	_ =	shalt  }
0x70: {  	_ =	shalt  }
0x71: {  	_ =	shalt  }
0x72: {  	_ =	shalt  }
0x73: {  	_ =	shalt  }
0x74: {  	_ =	shalt  }
0x75: {  	_ =	shalt  }
0x76: {  	_ =	shalt  }
0x77: {  	_ =	shalt  }
0x78: {  	_ =	shalt  }
0x79: {  	_ =	shalt  }
0x7a: {  	_ =	shalt  }
0x7b: {  	_ =	shalt  }
0x7c: {  	_ =	shalt  }
0x7d: {  	_ =	shalt  }
0x7e: {  	_ =	shalt  }
0x7f: {  	_ =	shalt  }
0x80: {  	_ =	shalt  }
0x81: {  	_ =	shalt  }
0x82: {  	_ =	shalt  }
0x83: {  	_ =	shalt  }
0x84: {  	_ =	shalt  }
0x85: {  	_ =	shalt  }
0x86: {  	_ =	shalt  }
0x87: {  	_ =	shalt  }
.Lfunc_end0:
.L_simem_size_0:
called_computation.1_lowered:
.L_overlay_start_0:
0x88: {  	s2 =	sld [smem:$0x3FD9]  }
0x89: {  	s3 =	sld [smem:$0x3FFE];
	_ =	sdelay $0x1  }
0x8a: {  	s1 =	srdreg.scid  }
0x8b: {  	s0 =	sand.u32 $0x1, s1  }
0x8c: {  	s17 =	sshll.u32 s0, $0xA;
	s2 =	sadd.s32 s3, s2  }
0x8d: {  	s2 =	sadd.s32 s2, s17  }
0x8e: {  	[smem:$0x3FC5] =	sst s2  }
0x8f: {  	_ = 	snop  }
0x90: {  	s2 =	sld [smem:$0x3FD0];
	(tm) =	ssettm $0x1  }
0x91: {  	s18 =	sld [smem:$0x3FFB];
	_ =	sdelay $0x3  }
0x92: {  	_ =	strace s18  }
0x93: {  	s3 =	sld [smem:$0x3FFC];
	_ =	sdelay $0x3  }
0x94: {  	_ =	strace s3  }
0x95: {  	s3 =	sld [smem:$0x3FFD];
	_ =	sdelay $0x3  }
0x96: {  	_ =	strace s3  }
0x97: {  	_ =	strace $0x8FFFFFFF  }
0x98: {  	s19 =	sld [smem:$0x3FDB];
	_ =	sdelay $0x1  }
0x99: {  	s4 =	simm.s32 $_scs_section_size  }
0x9a: {  	s5 =	simm.s32 $_size__tile_overlayer_lowered;
	s6 =	simm.s32 $_tile_overlayer_lowered  }
0x9b: {  	s22 =	simm.s32 $0x1BFF;
	s21 =	sshll.u32 s6, $0x1;
	s3 =	sadd.s32 s4, s19  }
0x9c: {  	s7 =	simm.s32 $0x0;
	s20 =	sshll.u32 s5, $0x1;
	s5 =	sadd.s32 s21, s3  }
0x9d: {  	[timem:s7], [sflag:s22] =	dma.local [hbm:s5], s20  }
0x9e: {  	_ =	swait.ge [sflag:s22], s20  }
0x9f: {  	s4 =	ssub.s32 $0x0, s20;
	[sflag:s22] =	ssyncset.done $0x0  }
0xa0: {  	[sflag:s22] =	ssyncadd.s32 s4;
	_ =	sdelay $0x1  }
0xa1: {  	s23 =	simm.s32 $0x1B8B  }
0xa2: {  	_ =	swait.ge [sflag:s23], $0x1  }
0xa3: {  	[sflag:s23] =	ssyncset.done $0x0  }
0xa4: {  	s25 =	simm.s32 $0x1B8E;
	s24 =	sld [smem:$0x3FFE];
	[sflag:s23] =	ssyncadd.s32 $0xFFFFFFFF  }
0xa5: {  	s26 =	simm.s32 $execute0_lowered;
	[smem:$0x3FD2] =	sst s25  }
0xa6: {  	s5 =	sshll.u32 s26, $0x1;
	_ =	strace $0x80000046;
	[dreg:$0x1] =	wrdreg $0xFFFFFFFF  }
0xa7: {  	s28 =	simm.s32 $_size_execute0_lowered;
	s3 =	sadd.s32 s3, s5;
	[dreg:$0x0] =	wrdreg $0x0  }
0xa8: {  	s5 =	sshll.u32 s28, $0x1;
	[dreg:$0x2] =	wrdreg s3  }
0xa9: {  	[dreg:$0x3] =	wrdreg s5  }
0xaa: {  	[dreg:$0x4] =	wrdreg $0xC0  }
0xab: {  	_ =	task [dreg:s7], $0x5FFFF  }
0xac: {  	[dreg:$0x1] =	wrdreg $0xFFFFFFFF  }
0xad: {  	[dreg:$0x0] =	wrdreg $0x60  }
0xae: {  	[dreg:$0x2] =	wrdreg s24  }
0xaf: {  	[dreg:$0x3] =	wrdreg s2  }
0xb0: {  	[dreg:$0x4] =	wrdreg $0x9  }
0xb1: {  	_ =	task.clear_ibuf [dreg:s7], $0x5FFFF;
	_ =	strace $0x90000046  }
0xb2: {  	s29 =	simm.s32 $0x9;
	_ =	strace $0x80000048  }
0xb3: {  	_ =	swait.ge [sflag:s29], $0x1  }
0xb4: {  	[sflag:s29] =	ssyncadd.s32 $0xFFFFFFFF  }
0xb5: {  	_ =	strace $0x90000048  }
0xb6: {  	_ =	sfence  }
0xb7: {  	s30 =	sld [smem:$0x0];
	_ =	sdelay $0x2  }
0xb8: {  	s31 =	sshll.u32 s1, $0xD;
	s1 =	sshrl.u32 s1, $0x2  }
0xb9: {  	s3 =	sand.u32 $0x4000, s31;
	s1 =	sadd.s32 s1, s30  }
0xba: {  	s0 =	sor.u32 s3, s0;
	s1 =	sshll.u32 s1, $0x11  }
0xbb: {  	s0 =	sor.u32 s1, s0  }
0xbc: {  	s0 =	sadd.s32 $0x8F2B, s0  }
0xbd: {  	[sflag:s0] =	ssyncadd.remote.s32 $0x1  }
0xbe: {  	_ =	sfence.sel $0xFFFF  }
0xbf: {  	[dreg:$0x0] =	wrdreg $0xFFFFFFFF;
	(pc) =	sbr.abs _section_cstart, $3  }
0xc0: {  	[dreg:$0x1] =	wrdreg $0xFFFFFFFF  }
0xc1: {  	_ =	task.clear_ibuf [dreg:s7], $0x2FFFF;
	_ =	strace $0x9FFFFFFF  }
0xc2: {  	(tm) =	ssettm $0x7FFFFFFF  }
0xc3: {  	_ =	shalt  }
tec
execute0_lowered:
.L_overlay_start_1:
0x0: {  	(tag) =	ssettag $0x1  }
0x1: {  	s0 =	srdreg.scid  }
0x2: {  	s2 =	stileid.u32;
	s1 =	rddreg [dreg:$0x0];
	s10 =	simm.s32 $0x5  }
0x3: {  	s11 =	simm.s32 $0x80;
	s12 =	simm.s32 $0x6400;
	s13 =	simm.s32 $0x48  }
0x4: {  	s15 =	simm.s32 $0xC8;
	s16 =	simm.s32 $0x9600;
	s17 =	simm.s32 $0x148  }
0x5: {  	s18 =	simm.s32 $0xB600;
	s19 =	simm.s32 $0xC800;
	s20 =	simm.s32 $0xE800  }
0x6: {  	s21 =	simm.s32 $0xFA00;
	s22 =	simm.s32 $0x11A00;
	s23 =	simm.s32 $0x1  }
0x7: {  	s24 =	simm.s32 $0x3;
	s25 =	simm.s32 $0x2;
	s0 =	sand.u32 $0x1, s0  }
0x8: {  	s26 =	simm.s32 $0x4;
	s3 =	sshll.u32 s2, $0x8;
	s4 =	sshll.u32 s0, $0x7  }
0x9: {  	s28 =	simm.s32 $0x0;
	s2 =	rddreg [dreg:$0x1];
	s3 =	sor.u32 s4, s3  }
0xa: {  	s0 =	ssub.s32 $0x2, s0;
	s4 =	simm.s32 $0x0;
	s5 =	smul.u32 $0x19, s3  }
0xb: {  	s6 =	sadd.s32 $0x19C00, s1;
	s8 =	sshrl.u32 s0, $0x1;
	[smem:$0x7FF] =	sst s4  }
0xc: {  	s0 =	ssub.s32 s0, s8;
	_ =	strace $0x80000047;
	s7 =	sadd.s32 s5, s1  }
0xd: {  	s8 =	smax.u32 s0, $0x1;
	s5 =	sadd.s32 $0xF43000, s1;
	s7 =	sadd.s32 $0xC00, s7  }
.LBB2_1:
0xe: {  	s0 =	simm.s32 $0x12C00  }
0xf: {  	[tilespmem:s0], [sflag:$0x5] =	stream.linear.gather [hbm4b:s6+s4], $0x3200, $0x38;
	[tilespmem:$0x15E00] =	vst v63  }
0x10: {  	_ =	swait.ge [sflag:s10], $0x3200  }
0x11: {  	[sflag:s10] =	ssyncset.done $0x0  }
0x12: {  	[sflag:s10] =	ssyncadd.s32 $0xFFFFCE00  }
0x13: {  	[tilespmem:s4], [sflag:$0x5] =	stream.linear.gather [hbm4b:s7+s4], $0x6400, $0x38;
	[tilespmem:$0x15E00] =	vst v63  }
0x14: {  	_ =	swait.ge [sflag:s10], $0x6400  }
0x15: {  	[sflag:s10] =	ssyncset.done $0x0  }
0x16: {  	[sflag:s10] =	ssyncadd.s32 $0xFFFF9C00  }
0x17: {  	[tilespmem:s12], [sflag:$0x1] =	stream.indirect.gather [hbm4b:s5+s11], $0x40, s4, s11, $0xb8;
	[tilespmem:$0x15E00] =	vst v63  }
0x18: {  	s31 =	simm.s32 $0x8400  }
0x19: {  	[tilespmem:s31], [sflag:$0x1] =	stream.indirect.gather [hbm4b:s5+s13], $0x40, s11, s13, $0xb8;
	[tilespmem:$0x15E00] =	vst v63  }
0x1a: {  	_ = 	snop  }
0x1b: {  	[tilespmem:s16], [sflag:$0x1] =	stream.indirect.gather [hbm4b:s5+s11], $0x40, s15, s11, $0xb8;
	[tilespmem:$0x15E00] =	vst v63  }
0x1c: {  	s29 =	simm.s32 $0x0  }
0x1d: {  	[tilespmem:s18], [sflag:$0x1] =	stream.indirect.gather [hbm4b:s5+s13], $0x40, s17, s13, $0xb8;
	[tilespmem:$0x15E00] =	vst v63  }
.LBB2_2:
0x1e: {  	s0 =	sshll.u32 s29, $0x1;
	p0 =	seq.s32 s29, $0x0  }
0x1f: {  	s1 =	simm.s32 @!p0 $0x4;
	s30 =	sor.u32 $0x1, s0  }
0x20: {  	_ =	swait.ge @!p0 [sflag:s1], $0x6400;
	s0 =	smul.u32 $0x640, s30  }
0x21: {  	[sflag:s1] =	ssyncset.done @!p0 $0x0  }
0x22: {  	[sflag:s1] =	ssyncadd.s32 @!p0 $0xFFFF9C00;
	s0 =	sshra.s32 s0, $0x2  }
0x23: {  	[tilespmem:s19], [sflag:$0x2] =	stream.indirect.gather [hbm4b:s5+s11], $0x40, s0, s11, $0xb8;
	[tilespmem:$0x15E00] =	vst v63  }
0x24: {  	s9 =	sadd.s32 $0x80, s0  }
0x25: {  	[tilespmem:s20], [sflag:$0x2] =	stream.indirect.gather [hbm4b:s5+s13], $0x40, s9, s13, $0xb8;
	[tilespmem:$0x15E00] =	vst v63  }
0x26: {  	s14 =	sadd.s32 $0xC8, s0  }
0x27: {  	[tilespmem:s21], [sflag:$0x2] =	stream.indirect.gather [hbm4b:s5+s11], $0x40, s14, s11, $0xb8;
	[tilespmem:$0x15E00] =	vst v63  }
0x28: {  	s0 =	sadd.s32 $0x148, s0  }
0x29: {  	[tilespmem:s22], [sflag:$0x2] =	stream.indirect.gather [hbm4b:s5+s13], $0x40, s0, s13, $0xb8;
	[tilespmem:$0x15E00] =	vst v63  }
0x2a: {  	_ =	swait.ge [sflag:s23], $0x6400  }
0x2b: {  	[sflag:s23] =	ssyncset.done $0x0  }
0x2c: {  	s31 =	simm.s32 $0x0;
	[sflag:s23] =	ssyncadd.s32 $0xFFFF9C00  }
0x2d: {  	v0 =	vld [tilespmem:s31+$0x12C70]  }
0x2e: {  	v1 =	vld [tilespmem:s31+$0x12C00]  }
0x2f: {  	v2 =	vld [tilespmem:s31+$0x12C10]  }
0x30: {  	v3 =	vld [tilespmem:s31+$0x12C20]  }
0x31: {  	v4 =	vld [tilespmem:s31+$0x12C30]  }
0x32: {  	v5 =	vld [tilespmem:s31+$0x12C40]  }
0x33: {  	v6 =	vld [tilespmem:s31+$0x12C50]  }
0x34: {  	v7 =	vld [tilespmem:s31+$0x12C60]  }
0x35: {  	[tilespmem:s31+$0x9670] =	vst.add.f32.msk $0xffff, v0  }
0x36: {  	[tilespmem:s31+$0x6400] =	vst.add.f32.msk $0xffff, v1  }
0x37: {  	[tilespmem:s31+$0x9600] =	vst.add.f32.msk $0xffff, v1  }
0x38: {  	[tilespmem:s31+$0x6410] =	vst.add.f32.msk $0xffff, v2  }
0x39: {  	[tilespmem:s31+$0x9610] =	vst.add.f32.msk $0xffff, v2  }
0x3a: {  	[tilespmem:s31+$0x6420] =	vst.add.f32.msk $0xffff, v3  }
0x3b: {  	[tilespmem:s31+$0x9620] =	vst.add.f32.msk $0xffff, v3  }
0x3c: {  	[tilespmem:s31+$0x6430] =	vst.add.f32.msk $0xffff, v4  }
0x3d: {  	[tilespmem:s31+$0x9630] =	vst.add.f32.msk $0xffff, v4  }
0x3e: {  	[tilespmem:s31+$0x6440] =	vst.add.f32.msk $0xffff, v5  }
0x3f: {  	[tilespmem:s31+$0x9640] =	vst.add.f32.msk $0xffff, v5  }
0x40: {  	[tilespmem:s31+$0x6450] =	vst.add.f32.msk $0xffff, v6  }
0x41: {  	[tilespmem:s31+$0x9650] =	vst.add.f32.msk $0xffff, v6  }
0x42: {  	[tilespmem:s31+$0x6460] =	vst.add.f32.msk $0xffff, v7  }
0x43: {  	s1 =	simm.s32 $0x0;
	s0 =	simm.s32 $0x200;
	[tilespmem:s31+$0x9660] =	vst.add.f32.msk $0xffff, v7  }
.LBB2_3:
0x44: {  	s1 =	sadd.s32 $0x2, s1;
	[tilespmem:s31+$0x6470] =	vst.add.f32.msk $0xffff, v0;
	s31 =	sshra.s32 s0, $0x2  }
0x45: {  	v0 =	vld [tilespmem:s31+$0x12C70];
	p0 =	slt.u32 s1, $0xC6  }
0x46: {  	v1 =	vld [tilespmem:s31+$0x12C00]  }
0x47: {  	v2 =	vld [tilespmem:s31+$0x12C10]  }
0x48: {  	v3 =	vld [tilespmem:s31+$0x12C20]  }
0x49: {  	v4 =	vld [tilespmem:s31+$0x12C30]  }
0x4a: {  	[tilespmem:s31+$0x9670] =	vst.add.f32.msk $0xffff, v0  }
0x4b: {  	v5 =	vld [tilespmem:s31+$0x12C40]  }
0x4c: {  	v6 =	vld [tilespmem:s31+$0x12C50]  }
0x4d: {  	v7 =	vld [tilespmem:s31+$0x12C60]  }
0x4e: {  	[tilespmem:s31+$0x6400] =	vst.add.f32.msk $0xffff, v1  }
0x4f: {  	[tilespmem:s31+$0x9600] =	vst.add.f32.msk $0xffff, v1  }
0x50: {  	[tilespmem:s31+$0x6410] =	vst.add.f32.msk $0xffff, v2  }
0x51: {  	[tilespmem:s31+$0x9610] =	vst.add.f32.msk $0xffff, v2  }
0x52: {  	[tilespmem:s31+$0x6420] =	vst.add.f32.msk $0xffff, v3  }
0x53: {  	[tilespmem:s31+$0x9620] =	vst.add.f32.msk $0xffff, v3  }
0x54: {  	[tilespmem:s31+$0x6430] =	vst.add.f32.msk $0xffff, v4  }
0x55: {  	[tilespmem:s31+$0x9630] =	vst.add.f32.msk $0xffff, v4  }
0x56: {  	[tilespmem:s31+$0x6440] =	vst.add.f32.msk $0xffff, v5  }
.Ltmp0:
0x57: {  	[tilespmem:s31+$0x9640] =	vst.add.f32.msk $0xffff, v5;
	(pc) =	sbr.rel @p0 .LBB2_3-.Ltmp0, $4  }
0x58: {  	[tilespmem:s31+$0x6450] =	vst.add.f32.msk $0xffff, v6  }
0x59: {  	[tilespmem:s31+$0x9650] =	vst.add.f32.msk $0xffff, v6  }
0x5a: {  	[tilespmem:s31+$0x6460] =	vst.add.f32.msk $0xffff, v7  }
0x5b: {  	s0 =	sadd.s32 $0x200, s0;
	[tilespmem:s31+$0x9660] =	vst.add.f32.msk $0xffff, v7  }
0x5c: {  	s0 =	sshll.u32 s29, $0x2  }
0x5d: {  	s0 =	sadd.s32 s3, s0  }
0x5e: {  	s0 =	smul.u32 $0x640, s0;
	_ =	sdelay $0x1  }
0x5f: {  	[tilespmem:s31+$0x6470] =	vst.add.f32.msk $0xffff, v0;
	p0 =	seq.s32 s29, $0x1F;
	s0 =	sadd.s32 s2, s0  }
0x60: {  	[hbm4b:s0+s4] =	stream.linear.scatter [tilespmem:s12], [sflag:$0x3], $0x6400, $0x38;
	[tilespmem:$0x15E00] =	vst v63  }
0x61: {  	s0 =	smul.u32 @!p0 $0xC80, s29  }
0x62: {  	_ =	swait.ge [sflag:s24], $0x6400  }
0x63: {  	s31 =	simm.s32 @!p0 $0x80;
	[sflag:s24] =	ssyncset.done $0x0;
	s0 =	sshra.s32 @!p0 s0, $0x2  }
0x64: {  	s9 =	simm.s32 @!p0 $0x6400;
	[sflag:s24] =	ssyncadd.s32 $0xFFFF9C00;
	s1 =	sadd.s32 @!p0 $0x320, s0  }
0x65: {  	[tilespmem:s9], [sflag:$0x1] =	stream.indirect.gather @!p0 [hbm4b:s5+s31], $0x40, s1, s31, $0xb8;
	[tilespmem:$0x15E00] =	vst v63  }
0x66: {  	s14 =	simm.s32 @!p0 $0x8400;
	s1 =	sadd.s32 @!p0 $0x3A0, s0;
	s9 =	simm.s32 @!p0 $0x48  }
0x67: {  	[tilespmem:s14], [sflag:$0x1] =	stream.indirect.gather @!p0 [hbm4b:s5+s9], $0x40, s1, s9, $0xb8;
	[tilespmem:$0x15E00] =	vst v63  }
0x68: {  	s1 =	sadd.s32 @!p0 $0x3E8, s0;
	s14 =	simm.s32 @!p0 $0x9600  }
0x69: {  	[tilespmem:s14], [sflag:$0x1] =	stream.indirect.gather @!p0 [hbm4b:s5+s31], $0x40, s1, s31, $0xb8;
	[tilespmem:$0x15E00] =	vst v63  }
0x6a: {  	s0 =	sadd.s32 @!p0 $0x468, s0;
	s1 =	simm.s32 @!p0 $0xB600  }
0x6b: {  	[tilespmem:s1], [sflag:$0x1] =	stream.indirect.gather @!p0 [hbm4b:s5+s9], $0x40, s0, s9, $0xb8;
	[tilespmem:$0x15E00] =	vst v63  }
0x6c: {  	_ =	swait.ge [sflag:s25], $0x6400  }
0x6d: {  	[sflag:s25] =	ssyncset.done $0x0  }
0x6e: {  	s31 =	simm.s32 $0x0;
	[sflag:s25] =	ssyncadd.s32 $0xFFFF9C00  }
0x6f: {  	v0 =	vld [tilespmem:s31+$0x12C70]  }
0x70: {  	v1 =	vld [tilespmem:s31+$0x12C00]  }
0x71: {  	v2 =	vld [tilespmem:s31+$0x12C10]  }
0x72: {  	v3 =	vld [tilespmem:s31+$0x12C20]  }
0x73: {  	v4 =	vld [tilespmem:s31+$0x12C30]  }
0x74: {  	v5 =	vld [tilespmem:s31+$0x12C40]  }
0x75: {  	v6 =	vld [tilespmem:s31+$0x12C50]  }
0x76: {  	v7 =	vld [tilespmem:s31+$0x12C60]  }
0x77: {  	[tilespmem:s31+$0xFA70] =	vst.add.f32.msk $0xffff, v0  }
0x78: {  	[tilespmem:s31+$0xC800] =	vst.add.f32.msk $0xffff, v1  }
0x79: {  	[tilespmem:s31+$0xFA00] =	vst.add.f32.msk $0xffff, v1  }
0x7a: {  	[tilespmem:s31+$0xC810] =	vst.add.f32.msk $0xffff, v2  }
0x7b: {  	[tilespmem:s31+$0xFA10] =	vst.add.f32.msk $0xffff, v2  }
0x7c: {  	[tilespmem:s31+$0xC820] =	vst.add.f32.msk $0xffff, v3  }
0x7d: {  	[tilespmem:s31+$0xFA20] =	vst.add.f32.msk $0xffff, v3  }
0x7e: {  	[tilespmem:s31+$0xC830] =	vst.add.f32.msk $0xffff, v4  }
0x7f: {  	[tilespmem:s31+$0xFA30] =	vst.add.f32.msk $0xffff, v4  }
0x80: {  	[tilespmem:s31+$0xC840] =	vst.add.f32.msk $0xffff, v5  }
0x81: {  	[tilespmem:s31+$0xFA40] =	vst.add.f32.msk $0xffff, v5  }
0x82: {  	[tilespmem:s31+$0xC850] =	vst.add.f32.msk $0xffff, v6  }
0x83: {  	[tilespmem:s31+$0xFA50] =	vst.add.f32.msk $0xffff, v6  }
0x84: {  	[tilespmem:s31+$0xC860] =	vst.add.f32.msk $0xffff, v7  }
0x85: {  	s1 =	simm.s32 $0x0;
	s0 =	simm.s32 $0x200;
	[tilespmem:s31+$0xFA60] =	vst.add.f32.msk $0xffff, v7  }
.LBB2_5:
0x86: {  	s1 =	sadd.s32 $0x2, s1;
	[tilespmem:s31+$0xC870] =	vst.add.f32.msk $0xffff, v0;
	s31 =	sshra.s32 s0, $0x2  }
0x87: {  	v0 =	vld [tilespmem:s31+$0x12C70];
	p0 =	slt.u32 s1, $0xC6  }
0x88: {  	v1 =	vld [tilespmem:s31+$0x12C00]  }
0x89: {  	v2 =	vld [tilespmem:s31+$0x12C10]  }
0x8a: {  	v3 =	vld [tilespmem:s31+$0x12C20]  }
0x8b: {  	v4 =	vld [tilespmem:s31+$0x12C30]  }
0x8c: {  	[tilespmem:s31+$0xFA70] =	vst.add.f32.msk $0xffff, v0  }
0x8d: {  	v5 =	vld [tilespmem:s31+$0x12C40]  }
0x8e: {  	v6 =	vld [tilespmem:s31+$0x12C50]  }
0x8f: {  	v7 =	vld [tilespmem:s31+$0x12C60]  }
0x90: {  	[tilespmem:s31+$0xC800] =	vst.add.f32.msk $0xffff, v1  }
0x91: {  	[tilespmem:s31+$0xFA00] =	vst.add.f32.msk $0xffff, v1  }
0x92: {  	[tilespmem:s31+$0xC810] =	vst.add.f32.msk $0xffff, v2  }
0x93: {  	[tilespmem:s31+$0xFA10] =	vst.add.f32.msk $0xffff, v2  }
0x94: {  	[tilespmem:s31+$0xC820] =	vst.add.f32.msk $0xffff, v3  }
0x95: {  	[tilespmem:s31+$0xFA20] =	vst.add.f32.msk $0xffff, v3  }
0x96: {  	[tilespmem:s31+$0xC830] =	vst.add.f32.msk $0xffff, v4  }
0x97: {  	[tilespmem:s31+$0xFA30] =	vst.add.f32.msk $0xffff, v4  }
0x98: {  	[tilespmem:s31+$0xC840] =	vst.add.f32.msk $0xffff, v5  }
.Ltmp1:
0x99: {  	[tilespmem:s31+$0xFA40] =	vst.add.f32.msk $0xffff, v5;
	(pc) =	sbr.rel @p0 .LBB2_5-.Ltmp1, $4  }
0x9a: {  	[tilespmem:s31+$0xC850] =	vst.add.f32.msk $0xffff, v6  }
0x9b: {  	[tilespmem:s31+$0xFA50] =	vst.add.f32.msk $0xffff, v6  }
0x9c: {  	[tilespmem:s31+$0xC860] =	vst.add.f32.msk $0xffff, v7  }
0x9d: {  	s0 =	sadd.s32 $0x200, s0;
	[tilespmem:s31+$0xFA60] =	vst.add.f32.msk $0xffff, v7  }
0x9e: {  	s29 =	sadd.s32 $0x1, s29  }
0x9f: {  	s0 =	sshll.u32 s30, $0x1;
	p0 =	sne.s32 s29, $0x20  }
.Ltmp2:
0xa0: {  	s0 =	sadd.s32 s3, s0;
	(pc) =	sbr.rel @p0 .LBB2_2-.Ltmp2, $3  }
0xa1: {  	s0 =	smul.u32 $0x640, s0;
	_ =	sdelay $0x1  }
0xa2: {  	[tilespmem:s31+$0xC870] =	vst.add.f32.msk $0xffff, v0;
	s0 =	sadd.s32 s2, s0  }
0xa3: {  	[hbm4b:s0+s4] =	stream.linear.scatter [tilespmem:s19], [sflag:$0x4], $0x6400, $0x38;
	[tilespmem:$0x15E00] =	vst v63  }
0xa4: {  	s28 =	sadd.s32 $0x1, s28  }
0xa5: {  	p0 =	sne.s32 s28, s8  }
.Ltmp3:
0xa6: {  	_ = 	snop;
	(pc) =	sbr.rel @p0 .LBB2_1-.Ltmp3, $4  }
0xa7: {  	_ = 	snop  }
0xa8: {  	_ =	swait.ge [sflag:s26], $0x6400  }
0xa9: {  	[sflag:s26] =	ssyncset.done $0x0  }
0xaa: {  	[sflag:s26] =	ssyncadd.s32 $0xFFFF9C00  }
0xab: {  	_ =	sfence.sel $0x180000  }
0xac: {  	[bflag:$0x0] =	sbarrier.arrive $0xFFFF  }
0xad: {  	_ =	strace $0x90000047  }
0xae: {  	s0 =	stileid.u32;
	[bflag:$0x2] =	sbarrier.arrive $0xFFFF  }
0xaf: {  	p0 =	sne.s32 s0, $0x0;
	s0 =	rddreg [dreg:$0x2]  }
0xb0: {  	s0 =	sadd.s32 @!p0 $0x100000, s0  }
0xb1: {  	[sflag:s0] =	ssyncadd.tile.s32 @!p0 $0x1;
	_ =	shalt  }
.Lfunc_end2:
_tile_overlayer_lowered:
.L_overlay_start_2:
0xb2: {  	(tag) =	ssettag $0x2  }
0xb3: {  	s0 =	rddreg [dreg:$0x0];
	s2 =	stileid.u32  }
0xb4: {  	s1 =	rddreg [dreg:$0x1];
	p0 =	sne.s32 s2, $0x0  }
0xb5: {  	s3 =	rddreg [dreg:$0x2];
	[bflag:$0x3] =	sbarrier.arrive $0xFFFF;
	s2 =	simm.s32 @!p0 $0x1C05  }
0xb6: {  	[timem:s3], [sflag:s2] =	dma.local @!p0 [hbm:s0], s1  }
0xb7: {  	s0 =	simm.s32 @!p0 $0x5  }
0xb8: {  	_ =	swait.ge @!p0 [sflag:s0], s1  }
0xb9: {  	s1 =	ssub.s32 @!p0 $0x0, s1;
	[sflag:s0] =	ssyncset.done @!p0 $0x0  }
0xba: {  	[sflag:s0] =	ssyncadd.s32 @!p0 s1  }
0xbb: {  	[bflag:$0x3] =	sbarrier.arrive $0xFFFF  }
0xbc: {  	_ =	shalt  }

// kernel: sparse-core-data-format-call.cloned.1.call-start
scs
called_computation_lowered:
.L_overlay_start_0:
0x0: {  	s2 =	sld [smem:$0x3FD9]  }
0x1: {  	s3 =	sld [smem:$0x3FFE];
	_ =	sdelay $0x1  }
0x2: {  	s1 =	srdreg.scid  }
0x3: {  	s0 =	sand.u32 $0x1, s1  }
0x4: {  	s18 =	sshll.u32 s0, $0xA;
	s2 =	sadd.s32 s3, s2  }
0x5: {  	s2 =	sadd.s32 s2, s18  }
0x6: {  	[smem:$0x3FC5] =	sst s2  }
0x7: {  	_ = 	snop  }
0x8: {  	s2 =	sld [smem:$0x3FD0];
	(tm) =	ssettm $0x1  }
0x9: {  	s19 =	sld [smem:$0x3FFB];
	_ =	sdelay $0x3  }
0xa: {  	_ =	strace s19  }
0xb: {  	s3 =	sld [smem:$0x3FFC];
	_ =	sdelay $0x3  }
0xc: {  	_ =	strace s3  }
0xd: {  	s3 =	sld [smem:$0x3FFD];
	_ =	sdelay $0x3  }
0xe: {  	_ =	strace s3  }
0xf: {  	_ =	strace $0x8FFFFFFF  }
0x10: {  	s20 =	sld [smem:$0x3FDB];
	_ =	sdelay $0x1  }
0x11: {  	s4 =	simm.s32 $_scs_section_size  }
0x12: {  	s5 =	simm.s32 $_size__tile_overlayer_lowered;
	s6 =	simm.s32 $_tile_overlayer_lowered  }
0x13: {  	s23 =	simm.s32 $0x1BFF;
	s22 =	sshll.u32 s6, $0x1;
	s3 =	sadd.s32 s4, s20  }
0x14: {  	s7 =	simm.s32 $0x0;
	s21 =	sshll.u32 s5, $0x1;
	s5 =	sadd.s32 s22, s3  }
0x15: {  	[timem:s7], [sflag:s23] =	dma.local [hbm:s5], s21  }
0x16: {  	_ =	swait.ge [sflag:s23], s21  }
0x17: {  	s4 =	ssub.s32 $0x0, s21;
	[sflag:s23] =	ssyncset.done $0x0  }
0x18: {  	[sflag:s23] =	ssyncadd.s32 s4;
	_ =	sdelay $0x1  }
0x19: {  	s24 =	simm.s32 $0x1B8B  }
0x1a: {  	_ =	swait.ge [sflag:s24], $0x1  }
0x1b: {  	[sflag:s24] =	ssyncset.done $0x0  }
0x1c: {  	s26 =	simm.s32 $0x1B8E;
	s25 =	sld [smem:$0x3FFE];
	[sflag:s24] =	ssyncadd.s32 $0xFFFFFFFF  }
0x1d: {  	s27 =	simm.s32 $execute0_lowered;
	[smem:$0x3FD2] =	sst s26  }
0x1e: {  	s5 =	sshll.u32 s27, $0x1;
	_ =	strace $0x80000049;
	[dreg:$0x1] =	wrdreg $0xFFFFFFFF  }
0x1f: {  	s28 =	simm.s32 $_size_execute0_lowered;
	s3 =	sadd.s32 s3, s5;
	[dreg:$0x0] =	wrdreg $0x0  }
0x20: {  	s5 =	sshll.u32 s28, $0x1;
	[dreg:$0x2] =	wrdreg s3  }
0x21: {  	[dreg:$0x3] =	wrdreg s5  }
0x22: {  	[dreg:$0x4] =	wrdreg $0xC0  }
0x23: {  	_ =	task [dreg:s7], $0x5FFFF  }
0x24: {  	[dreg:$0x1] =	wrdreg $0xFFFFFFFF  }
0x25: {  	[dreg:$0x0] =	wrdreg $0x60  }
0x26: {  	[dreg:$0x2] =	wrdreg s25  }
0x27: {  	[dreg:$0x3] =	wrdreg s2  }
0x28: {  	[dreg:$0x4] =	wrdreg $0x9  }
0x29: {  	_ =	task.clear_ibuf [dreg:s7], $0x5FFFF;
	_ =	strace $0x90000049  }
0x2a: {  	s29 =	simm.s32 $0x9;
	_ =	strace $0x8000004B  }
0x2b: {  	_ =	swait.ge [sflag:s29], $0x1  }
0x2c: {  	[sflag:s29] =	ssyncadd.s32 $0xFFFFFFFF  }
0x2d: {  	_ =	strace $0x9000004B  }
0x2e: {  	_ =	sfence  }
0x2f: {  	s30 =	sld [smem:$0x0];
	_ =	sdelay $0x2  }
0x30: {  	s31 =	sshll.u32 s1, $0xD;
	s1 =	sshrl.u32 s1, $0x2  }
0x31: {  	s3 =	sand.u32 $0x4000, s31;
	s1 =	sadd.s32 s1, s30  }
0x32: {  	s0 =	sor.u32 s3, s0;
	s1 =	sshll.u32 s1, $0x11  }
0x33: {  	s0 =	sor.u32 s1, s0  }
0x34: {  	s0 =	sadd.s32 $0x8F2B, s0  }
0x35: {  	[sflag:s0] =	ssyncadd.remote.s32 $0x1  }
0x36: {  	_ =	sfence.sel $0xFFFF  }
0x37: {  	[dreg:$0x0] =	wrdreg $0xFFFFFFFF;
	(pc) =	sbr.abs _section_cstart, $3  }
0x38: {  	[dreg:$0x1] =	wrdreg $0xFFFFFFFF  }
0x39: {  	_ =	task.clear_ibuf [dreg:s7], $0x2FFFF;
	_ =	strace $0x9FFFFFFF  }
0x3a: {  	(tm) =	ssettm $0x7FFFFFFF  }
0x3b: {  	_ =	shalt  }
tec
execute0_lowered:
.L_overlay_start_1:
0x0: {  	(tag) =	ssettag $0x1  }
0x1: {  	s0 =	srdreg.scid  }
0x2: {  	s1 =	sshll.u32 s0, $0x4  }
0x3: {  	s0 =	stileid.u32;
	s1 =	sand.u32 $0x10, s1  }
0x4: {  	s1 =	sor.u32 s0, s1  }
0x5: {  	s6 =	rddreg [dreg:$0x0];
	s4 =	simm.s32 $0x1;
	s2 =	sshll.u32 s1, $0x7  }
0x6: {  	s7 =	simm.s32 $0x2;
	s12 =	simm.s32 $0x0;
	s1 =	ssub.s32 $0x1000, s2  }
0x7: {  	s8 =	simm.s32 $0x8000;
	s13 =	simm.s32 $0x0;
	s3 =	sand.u32 $0xF80, s1  }
0x8: {  	s9 =	simm.s32 $0x0;
	s5 =	sshrl.u32 s1, $0xC;
	p0 =	sne.s32 s3, $0x0  }
.Ltmp0:
0x9: {  	s1 =	rddreg [dreg:$0x2];
	s4 =	simm.s32 @!p0 $0x0;
	(pc) =	sbr.rel .LBB1_1-.Ltmp0, $4  }
0xa: {  	s11 =	simm.s32 $0x0;
	s3 =	rddreg [dreg:$0x1];
	s5 =	sadd.s32 s4, s5  }
0xb: {  	_ =	strace $0x8000004A;
	s4 =	simm.s32 $0x1;
	s5 =	smul.u32 $0xC8, s5  }
0xc: {  	s6 =	sadd.s32 $0xC00, s6;
	s10 =	smov.u32 s2;
	[sflag:s4] =	ssyncpa.u1 $0x0  }
0xd: {  	p0 =	por $0x0, $0x0;
	[sflag:s7] =	ssyncpa.u1 $0x0;
	s7 =	sor.u32 $0x1, s5  }
.LBB1_4:
0xe: {  	s16 =	sshll.u32 s13, $0x3;
	s17 =	sand.u32 $0x78, s13  }
0xf: {  	s30 =	sand.u32 $0x7E00, s13;
	s12 =	sshll.u32 s12, $0xF;
	s16 =	sand.u32 $0xC00, s16  }
0x10: {  	[tilespmem:s15+$0x810 ss:$0x81] =	vst.msk $0xffff, v2;
	s31 =	sand.u32 $0x7, s13;
	s16 =	sor.u32 s17, s16;
	s17 =	sadd.s32 s3, s30  }
0x11: {  	[tilespmem:s15+$0x1020 ss:$0x81] =	vst.msk $0xffff, v0;
	s13 =	sshll.u32 s31, $0x12;
	s12 =	sadd.s32 s12, s17;
	s16 =	sshrl.u32 s16, $0x3  }
0x12: {  	[tilespmem:s15+$0x0 ss:$0x81] =	vst.msk $0xffff, v1;
	s13 =	sor.u32 $0x400, s13;
	s12 =	sadd.s32 s16, s12  }
0x13: {  	[hbm4b:s12+s13] =	stream.strided.scatter [tilespmem:s14], [sflag:$0x2], $0x2000, s8, s13, $0x20;
	[tilespmem:$0x8080] =	vst v63  }
.LBB1_5:
0x14: {  	s14 =	sadd.s32 $0x1, s9  }
0x15: {  	s12 =	sadd.s32 $0x1000, s10;
	s16 =	smov.u32 s10;
	p2 =	sgt.s32 s14, $0xC7  }
0x16: {  	s16 =	smov.u32 @p2 s12  }
0x17: {  	s14 =	simm.s32 @p2 $0x0;
	p2 =	sgt.s32 s16, $0xFFF  }
0x18: {  	s16 =	smov.u32 @p2 s2;
	p2 =	sne.s32 s11, s7  }
.Ltmp1:
0x19: {  	p1 =	slt.u32 s11, $0x2;
	(pc) =	sbr.rel @!p2 .LBB1_6-.Ltmp1, $4  }
0x1a: {  	s15 =	simm.s32 @!p1 $0x2  }
0x1b: {  	s13 =	smov.u32 s10;
	p0 =	por !p0, !p0;
	_ =	swait.ge @!p1 [sflag:s15], $0x2000  }
0x1c: {  	s12 =	smov.u32 s9;
	[sflag:s15] =	ssyncset.done @!p1 $0x0;
	s9 =	smov.u32 s14  }
0x1d: {  	s11 =	sadd.s32 $0x1, s11;
	[sflag:s15] =	ssyncadd.s32 @!p1 $0xFFFFE000;
	s10 =	smov.u32 s16  }
.LBB1_1:
0x1e: {  	p1 =	sge.u32 s11, s5  }
0x1f: {  	s14 =	sand.u32 @!p1 $0x1FFFFFF, s9  }
0x20: {  	s15 =	smulhi.u32 @!p1 $0x147AE15, s14;
	_ =	sdelay $0x1  }
0x21: {  	s15 =	smul.u32 @!p1 $0xC8, s15  }
0x22: {  	s16 =	sxor.u32 @!p1 $0xFFFFFFFF, s11;
	s17 =	smul.u32 @!p1 $0xC80, s10  }
0x23: {  	s31 =	sadd.s32 $0xFFFFFFFF, s11;
	s16 =	sshll.u32 @!p1 s16, $0xD;
	s14 =	ssub.s32 @!p1 s14, s15  }
0x24: {  	s15 =	sand.u32 @!p1 $0x2000, s16;
	s16 =	sadd.s32 @!p1 s6, s17;
	s14 =	sshll.u32 @!p1 s14, $0x4  }
0x25: {  	s17 =	simm.s32 @!p1 $0x6400;
	s14 =	sadd.s32 @!p1 s14, s16;
	s16 =	simm.s32 @!p1 $0x40  }
0x26: {  	[tilespmem:s15], [sflag:$0x1] =	stream.strided.gather @!p1 [hbm4b:s14+s16], $0x2000, s17, s16, $0x38;
	[tilespmem:$0x8080] =	vst v63  }
0x27: {  	p1 =	sge.u32 s31, s5  }
.Ltmp2:
0x28: {  	_ = 	snop;
	(pc) =	sbr.rel @p1 .LBB1_5-.Ltmp2, $1  }
0x29: {  	_ =	sdelay $0x3  }
0x2a: {  	s14 =	simm.s32 $0x1  }
0x2b: {  	_ =	swait.ge [sflag:s4], $0x2000;
	s14 =	simm.s32 @!p0 $0x0  }
0x2c: {  	[sflag:s4] =	ssyncset.done $0x0;
	s15 =	sshll.u32 s14, $0xD  }
0x2d: {  	[sflag:s4] =	ssyncadd.s32 $0xFFFFE000;
	s18 =	sor.u32 $0x20, s15  }
0x2e: {  	s14 =	smul.u32 $0x8100, s14;
	v3 =	vld [tilespmem:s18+$0x10]  }
0x2f: {  	s30 =	sand.u32 $0x1, s11;
	v2 =	vld [tilespmem:s18+$0xFFFFFFF0]  }
0x30: {  	s15 =	smul.u32 $0x8100, s30;
	s14 =	sshrl.u32 s14, $0x2;
	v0 =	vld [tilespmem:s18+$0x0]  }
0x31: {  	v1 =	vld [tilespmem:s18+$0xFFFFFFE0];
	s16 =	sor.u32 $0x4000, s14  }
0x32: {  	s31 =	sshrl.u32 s15, $0x2;
	s15 =	sadd.s32 $0x0, s16  }
0x33: {  	s17 =	simm.s32 $0x4;
	s18 =	sadd.s32 $0x40, s18;
	s14 =	sor.u32 $0x4000, s31;
	[tilespmem:s15+$0x1830 ss:$0x81] =	vst.msk $0xffff, v3  }
.LBB1_3:
0x34: {  	v3 =	vld [tilespmem:s18+$0x10];
	p1 =	sne.s32 s17, $0x1FC;
	[tilespmem:s15+$0x810 ss:$0x81] =	vst.msk $0xffff, v2;
	s19 =	smov.u32 s17;
	s17 =	sadd.s32 $0x4, s17  }
.Ltmp3:
0x35: {  	v2 =	vld [tilespmem:s18+$0xFFFFFFF0];
	[tilespmem:s15+$0x1020 ss:$0x81] =	vst.msk $0xffff, v0;
	(pc) =	sbr.rel @p1 .LBB1_3-.Ltmp3, $4  }
0x36: {  	v0 =	vld [tilespmem:s18+$0x0];
	[tilespmem:s15+$0x0 ss:$0x81] =	vst.msk $0xffff, v1  }
0x37: {  	s15 =	sshra.s32 s19, $0x2;
	v1 =	vld [tilespmem:s18+$0xFFFFFFE0]  }
0x38: {  	s15 =	sadd.s32 s15, s16  }
0x39: {  	s18 =	sadd.s32 $0x40, s18;
	[tilespmem:s15+$0x1830 ss:$0x81] =	vst.msk $0xffff, v3  }
.Ltmp4:
0x3a: {  	_ = 	snop;
	(pc) =	sbr.rel .LBB1_4-.Ltmp4, $1  }
0x3b: {  	_ =	sdelay $0x3  }
.LBB1_6:
0x3c: {  	_ =	sfence.sel $0x180000  }
0x3d: {  	s2 =	simm.s32 $0x1;
	[bflag:$0x0] =	sbarrier.arrive $0xFFFF  }
0x3e: {  	s31 =	simm.s32 $0x2;
	[sflag:s2] =	ssyncpa.u1 $0x1  }
0x3f: {  	[sflag:s31] =	ssyncpa.u1 $0x1  }
0x40: {  	p0 =	sne.s32 s0, $0x0;
	_ =	strace $0x9000004A  }
0x41: {  	s0 =	sadd.s32 @!p0 $0x100000, s1;
	[bflag:$0x2] =	sbarrier.arrive $0xFFFF  }
0x42: {  	[sflag:s0] =	ssyncadd.tile.s32 @!p0 $0x1;
	_ =	shalt  }
.Lfunc_end1:
_tile_overlayer_lowered:
.L_overlay_start_2:
0x43: {  	(tag) =	ssettag $0x2  }
0x44: {  	s0 =	rddreg [dreg:$0x0];
	s2 =	stileid.u32  }
0x45: {  	s1 =	rddreg [dreg:$0x1];
	p0 =	sne.s32 s2, $0x0  }
0x46: {  	s3 =	rddreg [dreg:$0x2];
	[bflag:$0x3] =	sbarrier.arrive $0xFFFF;
	s2 =	simm.s32 @!p0 $0x1C01  }
0x47: {  	[timem:s3], [sflag:s2] =	dma.local @!p0 [hbm:s0], s1  }
0x48: {  	s0 =	simm.s32 @!p0 $0x1  }
0x49: {  	_ =	swait.ge @!p0 [sflag:s0], s1  }
0x4a: {  	s1 =	ssub.s32 @!p0 $0x0, s1;
	[sflag:s0] =	ssyncset.done @!p0 $0x0  }
0x4b: {  	[sflag:s0] =	ssyncadd.s32 @!p0 s1  }
0x4c: {  	[bflag:$0x3] =	sbarrier.arrive $0xFFFF  }
0x4d: {  	_ =	shalt  }

</sc_bundles>
